<compile_context>
chip_gen: v7x
topology: tpu7x:2x2x1
jax: 0.10.2.dev20260603
libtpu: 0.0.44.dev20260713+nightly
codegen_flags: <defaults>
</compile_context>

<pallas_src>
import functools

import jax
import jax.numpy as jnp
from jax import lax
from jax.experimental import pallas as pl
from jax.experimental.pallas import tpu as pltpu, tpu_sc as plsc

N_USER = 50000
N_ITEM = 50000
N_NODE = 50000
N_ACC = 50048
E = 1600000
D = 16
D_OUT = 32

NC = 2
NS = 16
CHUNK = 128
KROWS = 56
NBLK = 14
PER_SUB = KROWS * CHUNK * NBLK
E_PAD = NS * PER_SUB
IDX_ROWS_PER_TASK = E_PAD // CHUNK
IDX_ROWS_PER_SUB = PER_SUB // CHUNK
ROWS_PER_SUB = N_ACC // NS
LAST_ROWS = N_NODE - (NS - 1) * ROWS_PER_SUB
D_ITEM = 9


NB = 8
LOOKAHEAD = 5


def _sc_body(xu_hbm, xi_hbm, pidx_hbm, out_hbm,
             acc_sh, table_sh, gbuf, sbuf, rows, gsem, ssem):
    c = lax.axis_index("c")
    s = lax.axis_index("s")

    def _zero_row(j, _):
        rows[0, j, :] = jnp.zeros((D,), jnp.float32)
        return 0
    lax.fori_loop(0, CHUNK, _zero_row, 0)

    def _zero_acc(i, _):
        pltpu.sync_copy(rows.at[0],
                        acc_sh.at[pl.ds(s * ROWS_PER_SUB + i * CHUNK, CHUNK)])
        pltpu.sync_copy(rows.at[0],
                        table_sh.at[pl.ds(s * ROWS_PER_SUB + i * CHUNK, CHUNK)])
        return 0
    lax.fori_loop(0, ROWS_PER_SUB // CHUNK, _zero_acc, 0)
    pltpu.sync_copy(
        rows.at[0].at[pl.ds(0, ROWS_PER_SUB % CHUNK)],
        acc_sh.at[pl.ds(s * ROWS_PER_SUB + (ROWS_PER_SUB // CHUNK) * CHUNK,
                        ROWS_PER_SUB % CHUNK)])
    pltpu.sync_copy(
        rows.at[0].at[pl.ds(0, ROWS_PER_SUB % CHUNK)],
        table_sh.at[pl.ds(s * ROWS_PER_SUB + (ROWS_PER_SUB // CHUNK) * CHUNK,
                          ROWS_PER_SUB % CHUNK)])

    @pl.when(jnp.logical_and(c == 0, s < NS - 1))
    def _():
        pltpu.sync_copy(xu_hbm.at[pl.ds(s * ROWS_PER_SUB, ROWS_PER_SUB)],
                        table_sh.at[pl.ds(s * ROWS_PER_SUB, ROWS_PER_SUB)])

    @pl.when(jnp.logical_and(c == 0, s == NS - 1))
    def _():
        pltpu.sync_copy(xu_hbm.at[pl.ds((NS - 1) * ROWS_PER_SUB, LAST_ROWS)],
                        table_sh.at[pl.ds((NS - 1) * ROWS_PER_SUB, LAST_ROWS)])

    @pl.when(jnp.logical_and(c == 1, s < NS - 1))
    def _():
        pltpu.sync_copy(xi_hbm.at[pl.ds(s * ROWS_PER_SUB, ROWS_PER_SUB)],
                        table_sh.at[pl.ds(s * ROWS_PER_SUB, ROWS_PER_SUB)])

    @pl.when(jnp.logical_and(c == 1, s == NS - 1))
    def _():
        pltpu.sync_copy(xi_hbm.at[pl.ds((NS - 1) * ROWS_PER_SUB, LAST_ROWS)],
                        table_sh.at[pl.ds((NS - 1) * ROWS_PER_SUB, LAST_ROWS)])

    plsc.subcore_barrier()

    base_row = s * IDX_ROWS_PER_SUB

    def _block(blk, _):
        row = base_row + blk * KROWS
        pltpu.sync_copy(pidx_hbm.at[c, pl.ds(row, KROWS)], gbuf)
        pltpu.sync_copy(pidx_hbm.at[1 - c, pl.ds(row, KROWS)], sbuf)

        for b in range(LOOKAHEAD):
            pltpu.async_copy(table_sh.at[gbuf.at[b]], rows.at[b], gsem.at[b])

        def _group(i, _):
            j0 = i * NB
            for b in range(NB):
                j = j0 + b
                pltpu.make_async_copy(table_sh.at[gbuf.at[j]], rows.at[b],
                                      gsem.at[b]).wait()
                pltpu.async_copy(rows.at[b], acc_sh.at[sbuf.at[j]],
                                 ssem.at[b], add=True)
                bg = (b + LOOKAHEAD) % NB
                jg = j + LOOKAHEAD

                @pl.when(jg < KROWS)
                def _(bg=bg, jg=jg, j=j):
                    @pl.when(jg - NB >= 0)
                    def _():
                        pltpu.make_async_copy(
                            rows.at[bg], acc_sh.at[sbuf.at[j]],
                            ssem.at[bg]).wait()
                    pltpu.async_copy(table_sh.at[gbuf.at[jg]], rows.at[bg],
                                     gsem.at[bg])
            return 0
        lax.fori_loop(0, KROWS // NB, _group, 0)

        for b in range(NB):
            pltpu.make_async_copy(rows.at[b], acc_sh.at[sbuf.at[0]],
                                  ssem.at[b]).wait()
        return 0
    lax.fori_loop(0, NBLK, _block, 0)

    plsc.subcore_barrier()

    pltpu.sync_copy(acc_sh.at[pl.ds(s * ROWS_PER_SUB, ROWS_PER_SUB)],
                    out_hbm.at[c, pl.ds(s * ROWS_PER_SUB, ROWS_PER_SUB)])


@jax.jit
def _sc_scatter(xu, xi, pidx):
    mesh = plsc.VectorSubcoreMesh(core_axis_name="c", subcore_axis_name="s")
    return pl.kernel(
        _sc_body,
        out_type=jax.ShapeDtypeStruct((NC, N_ACC, D), jnp.float32),
        mesh=mesh,
        compiler_params=pltpu.CompilerParams(use_tc_tiling_on_sc=False),
        scratch_types=[
            pltpu.VMEM_SHARED((N_ACC, D), jnp.float32),
            pltpu.VMEM_SHARED((N_ACC, D), jnp.float32),
            pltpu.VMEM((KROWS, CHUNK), jnp.int32),
            pltpu.VMEM((KROWS, CHUNK), jnp.int32),
            pltpu.VMEM((NB, CHUNK, D), jnp.float32),
            pltpu.SemaphoreType.DMA((NB,)),
            pltpu.SemaphoreType.DMA((NB,)),
        ],
    )(xu, xi, pidx)


def _tc_body(xu_ref, xi_ref, a0_ref, a1_ref, wb_ref, wis_ref, wl_ref, bb_ref,
             out_ref):
    h = jnp.dot(xu_ref[...], wb_ref[0:16, :], preferred_element_type=jnp.float32)
    h += jnp.dot(xi_ref[...], wis_ref[...], preferred_element_type=jnp.float32)
    h += jnp.dot(a0_ref[0], wb_ref[16:32, :], preferred_element_type=jnp.float32)
    h += jnp.dot(a1_ref[0], wb_ref[32:48, :], preferred_element_type=jnp.float32)
    h = jnp.maximum(h, 0.0)
    out_ref[...] = (jnp.dot(h, wl_ref[...], preferred_element_type=jnp.float32)
                    + bb_ref[0, 0])


@jax.jit
def _tc_dense(xu, xi, acc, wb, wis, wl, bb):
    blk = 2000
    grid = N_NODE // blk
    return pl.pallas_call(
        _tc_body,
        grid=(grid,),
        in_specs=[
            pl.BlockSpec((blk, D), lambda i: (i, 0)),
            pl.BlockSpec((blk, D_ITEM), lambda i: (i, 0)),
            pl.BlockSpec((1, blk, D), lambda i: (0, i, 0)),
            pl.BlockSpec((1, blk, D), lambda i: (1, i, 0)),
            pl.BlockSpec((3 * D, D_OUT), lambda i: (0, 0)),
            pl.BlockSpec((D_ITEM, D_OUT), lambda i: (0, 0)),
            pl.BlockSpec((D_OUT, 1), lambda i: (0, 0)),
            pl.BlockSpec((1, 1), lambda i: (0, 0)),
        ],
        out_specs=pl.BlockSpec((blk, 1), lambda i: (i, 0)),
        out_shape=jax.ShapeDtypeStruct((N_NODE, 1), jnp.float32),
    )(xu, xi, acc, acc, wb, wis, wl, bb)


def kernel(x_user, x_item, edge_index, W_user_self, W_u2i, W_item_self,
           W_i2u, W_lin, b_lin):
    pidx = jnp.pad(edge_index, ((0, 0), (0, E_PAD - E)),
                   constant_values=N_NODE)
    pidx = pidx.reshape(2, IDX_ROWS_PER_TASK, CHUNK)

    xi_pad = jnp.pad(x_item, ((0, 0), (0, D - x_item.shape[1])))
    acc = _sc_scatter(x_user, xi_pad, pidx)

    wi2u_pad = jnp.pad(W_i2u, ((0, D - W_i2u.shape[0]), (0, 0)))
    wb = jnp.concatenate([W_user_self, W_u2i, wi2u_pad], axis=0)
    bb = b_lin.reshape(1, 1)

    return _tc_dense(x_user, x_item, acc, wb, W_item_self, W_lin, bb)

# --- scband reference (transcript-rebuilt; emitter-appended) ---
"""Pipeline reference for scband-net-40570261078703 (READ-ONLY COPY).

The authoritative reference and input builder live on the scoring server;
editing this copy changes nothing except your own understanding.
"""

import jax, jax.numpy as jnp
import numpy as np

N_USER = 50000
N_ITEM = 50000
E = 1600000
D_USER = 16
D_ITEM = 9
D_OUT = 32


def setup_inputs(seed: int = 0) -> dict:
    key = jax.random.key(seed)
    ks = jax.random.split(key, 10)
    x_user = jax.random.normal(ks[0], (N_USER, D_USER), dtype=jnp.float32)
    x_item = jax.random.normal(ks[1], (N_ITEM, D_ITEM), dtype=jnp.float32)
    edge_index = jax.random.randint(ks[2], (2, E), 0, N_USER, dtype=jnp.int32)
    # Learned params: bipartite hetero conv (per-type self transform + cross-type message
    # transform), plus final linear head 32 -> 1.
    W_user_self = jax.random.normal(ks[3], (D_USER, D_OUT), dtype=jnp.float32) * 0.1
    W_u2i = jax.random.normal(ks[4], (D_USER, D_OUT), dtype=jnp.float32) * 0.1
    W_item_self = jax.random.normal(ks[5], (D_ITEM, D_OUT), dtype=jnp.float32) * 0.1
    W_i2u = jax.random.normal(ks[6], (D_ITEM, D_OUT), dtype=jnp.float32) * 0.1
    W_lin = jax.random.normal(ks[7], (D_OUT, 1), dtype=jnp.float32) * 0.1
    b_lin = jnp.zeros((1,), dtype=jnp.float32)
    return {
        "x_user": x_user,
        "x_item": x_item,
        "edge_index": edge_index,
        "W_user_self": W_user_self,
        "W_u2i": W_u2i,
        "W_item_self": W_item_self,
        "W_i2u": W_i2u,
        "W_lin": W_lin,
        "b_lin": b_lin,
    }


def reference(x_user, x_item, edge_index, W_user_self, W_u2i, W_item_self, W_i2u, W_lin, b_lin):
    src = edge_index[0]  # user indices
    dst = edge_index[1]  # item indices
    # HeteroConv over the single 'user_item' edge type:
    # item nodes aggregate transformed user messages (scatter-add by dst)
    msg_u2i = jnp.take(x_user, src, axis=0) @ W_u2i
    agg_item = jax.ops.segment_sum(msg_u2i, dst, num_segments=N_ITEM)
    h_item = x_item @ W_item_self + agg_item
    # user nodes aggregate transformed item messages along reversed edges
    msg_i2u = jnp.take(x_item, dst, axis=0) @ W_i2u
    agg_user = jax.ops.segment_sum(msg_i2u, src, num_segments=N_USER)
    h_user = x_user @ W_user_self + agg_user
    # forward tail: x = relu(x_dict['user'] + x_dict['item']); lin(x)
    x = jax.nn.relu(h_user + h_item)
    out = x @ W_lin + b_lin
    return out

if __name__ == "__main__":
    import jax
    _d = setup_inputs()
    print(jax.jit(kernel)(*tuple(_d.values())))

</pallas_src>

<mosaic_0001>
#map = affine_map<(d0, d1) -> (0, 0)>
#map1 = affine_map<(d0, d1) -> (0, 0, 0)>
module attributes {stable_mosaic.version = 14 : i64} {
  func.func @_sc_body(%arg0: i32, %arg1: i32, %arg2: memref<50000x16xf32, #tpu.memory_space<hbm>>, %arg3: memref<50000x16xf32, #tpu.memory_space<hbm>>, %arg4: memref<2x12544x128xi32, #tpu.memory_space<hbm>>, %arg5: memref<2x50048x16xf32, #tpu.memory_space<hbm>>, %arg6: memref<50048x16xf32, #tpu.memory_space<vmem_shared>>, %arg7: memref<50048x16xf32, #tpu.memory_space<vmem_shared>>, %arg8: memref<56x128xi32, #tpu.memory_space<vmem>>, %arg9: memref<56x128xi32, #tpu.memory_space<vmem>>, %arg10: memref<8x128x16xf32, #tpu.memory_space<vmem>>, %arg11: memref<8x!tpu.dma_semaphore, #tpu.memory_space<semaphore_mem>>, %arg12: memref<8x!tpu.dma_semaphore, #tpu.memory_space<semaphore_mem>>) attributes {dimension_semantics = [#tpu.dimension_semantics<core_parallel>, #tpu.dimension_semantics<subcore_parallel>], iteration_bounds = array<i64: 2, 16>, scalar_prefetch = 0 : i64, scratch_operands = 7 : i64, tpu.core_type = #tpu.core_type<sc_vector_subcore>, window_params = [{transform_indices = #map}, {transform_indices = #map}, {transform_indices = #map1}, {transform_indices = #map1}]} {
    %scan3A = arith.constant 0 : i32
    %scan3A_0 = arith.constant 0 : i32
    %scan3A_1 = arith.constant 128 : i32
    %scan3A_2 = arith.addi %scan3A_0, %scan3A_1 : i32
    %scan3A_3 = arith.constant 1 : i32
    %scan3A_4 = scf.for %scan3A_61 = %scan3A_0 to %scan3A_2 step %scan3A_3 iter_args(%scan3A_62 = %scan3A) -> (i32)  : i32 {
      %broadcast_in_dim3A = arith.constant 0.000000e+00 : f32
      %broadcast_in_dim3A_63 = vector.broadcast %broadcast_in_dim3A : f32 to vector<16xf32>
      %swap3A = arith.constant 0 : i32
      %swap3A_64 = arith.index_cast %swap3A : i32 to index
      %swap3A_65 = arith.index_cast %scan3A_61 : i32 to index
      %swap3A_66 = arith.constant 0 : index
      %swap3A_67 = tpu.vector_load %arg10[%swap3A_64, %swap3A_65, %swap3A_66] {strides = array<i32>} : memref<8x128x16xf32, #tpu.memory_space<vmem>>, vector<1x1x16xf32>,
      %swap3A_68 = vector.shape_cast %swap3A_67 : vector<1x1x16xf32> to vector<16xf32>
      %swap3A_69 = vector.shape_cast %broadcast_in_dim3A_63 : vector<16xf32> to vector<1x1x16xf32>
      tpu.vector_store %arg10[%swap3A_64, %swap3A_65, %swap3A_66], %swap3A_69 {strides = array<i32>} : memref<8x128x16xf32, #tpu.memory_space<vmem>>, vector<1x1x16xf32>,
      %scan3A_70 = arith.constant 0 : i32
      scf.yield %scan3A_70 : i32
    }
    %scan3A_5 = arith.constant 128 : i32
    %scan3A_6 = arith.constant 0 : i32
    %scan3A_7 = arith.constant 0 : i32
    %scan3A_8 = arith.constant 24 : i32
    %scan3A_9 = arith.addi %scan3A_7, %scan3A_8 : i32
    %scan3A_10 = arith.constant 1 : i32
    %scan3A_11 = scf.for %scan3A_61 = %scan3A_7 to %scan3A_9 step %scan3A_10 iter_args(%scan3A_62 = %scan3A_6) -> (i32)  : i32 {
      %mul3A_63 = arith.constant 3128 : i32
      %mul3A_64 = arith.muli %arg1, %mul3A_63 : i32
      %mul3A_65 = arith.constant 128 : i32
      %mul3A_66 = arith.muli %scan3A_61, %mul3A_65 : i32
      %add3A_67 = arith.addi %mul3A_64, %mul3A_66 : i32
      %run_scoped3A_68 = arith.constant 0 : i32
      "tpu.region"() ({
        %run_scoped3A_76 = tpu.sem_alloc : memref<!tpu.dma_semaphore, #tpu.memory_space<semaphore_mem>>
        %dma_start3A = arith.constant 0 : i32
        %dma_start3A_77 = arith.constant 0 : i32
        %dma_start3A_78 = tpu.memref_slice %arg10[%run_scoped3A_68, %dma_start3A, %dma_start3A_77] : memref<8x128x16xf32, #tpu.memory_space<vmem>> -> memref<1x128x16xf32, #tpu.memory_space<vmem>>
        %dma_start3A_79 = tpu.memref_squeeze %dma_start3A_78 : memref<1x128x16xf32, #tpu.memory_space<vmem>> -> memref<128x16xf32, #tpu.memory_space<vmem>>
        %dma_start3A_80 = arith.constant 0 : i32
        %dma_start3A_81 = tpu.memref_slice %arg6[%add3A_67, %dma_start3A_80] : memref<50048x16xf32, #tpu.memory_space<vmem_shared>> -> memref<128x16xf32, #tpu.memory_space<vmem_shared>>
        %dma_start3A_82 = arith.constant 0 : i32
        %dma_start3A_83 = tpu.memref_slice %arg6[%add3A_67, %dma_start3A_82] : memref<50048x16xf32, #tpu.memory_space<vmem_shared>> -> memref<128x16xf32, #tpu.memory_space<vmem_shared>>
        %dma_start3A_84 = arith.constant 0 : i32
        %dma_start3A_85 = arith.constant 0 : i32
        %dma_start3A_86 = tpu.memref_slice %arg10[%run_scoped3A_68, %dma_start3A_84, %dma_start3A_85] : memref<8x128x16xf32, #tpu.memory_space<vmem>> -> memref<1x128x16xf32, #tpu.memory_space<vmem>>
        %dma_start3A_87 = tpu.memref_squeeze %dma_start3A_86 : memref<1x128x16xf32, #tpu.memory_space<vmem>> -> memref<128x16xf32, #tpu.memory_space<vmem>>
        tpu.enqueue_dma source(%dma_start3A_87 : memref<128x16xf32, #tpu.memory_space<vmem>>) target(%dma_start3A_83 : memref<128x16xf32, #tpu.memory_space<vmem_shared>>) target_semaphore(%run_scoped3A_76 : memref<!tpu.dma_semaphore, #tpu.memory_space<semaphore_mem>>)
        %dma_wait3A = arith.constant 0 : i32
        %dma_wait3A_88 = arith.constant 0 : i32
        %dma_wait3A_89 = tpu.memref_slice %arg10[%run_scoped3A_68, %dma_wait3A, %dma_wait3A_88] : memref<8x128x16xf32, #tpu.memory_space<vmem>> -> memref<1x128x16xf32, #tpu.memory_space<vmem>>
        %dma_wait3A_90 = tpu.memref_squeeze %dma_wait3A_89 : memref<1x128x16xf32, #tpu.memory_space<vmem>> -> memref<128x16xf32, #tpu.memory_space<vmem>>
        %dma_wait3A_91 = arith.constant 0 : i32
        %dma_wait3A_92 = tpu.memref_slice %arg6[%add3A_67, %dma_wait3A_91] : memref<50048x16xf32, #tpu.memory_space<vmem_shared>> -> memref<128x16xf32, #tpu.memory_space<vmem_shared>>
        %dma_wait3A_93 = arith.constant 0 : i32
        %dma_wait3A_94 = tpu.memref_slice %arg6[%add3A_67, %dma_wait3A_93] : memref<50048x16xf32, #tpu.memory_space<vmem_shared>> -> memref<128x16xf32, #tpu.memory_space<vmem_shared>>
        %dma_wait3A_95 = arith.constant 0 : i32
        %dma_wait3A_96 = arith.constant 0 : i32
        %dma_wait3A_97 = tpu.memref_slice %arg10[%run_scoped3A_68, %dma_wait3A_95, %dma_wait3A_96] : memref<8x128x16xf32, #tpu.memory_space<vmem>> -> memref<1x128x16xf32, #tpu.memory_space<vmem>>
        %dma_wait3A_98 = tpu.memref_squeeze %dma_wait3A_97 : memref<1x128x16xf32, #tpu.memory_space<vmem>> -> memref<128x16xf32, #tpu.memory_space<vmem>>
        tpu.wait_dma2 semaphore(%run_scoped3A_76 : memref<!tpu.dma_semaphore, #tpu.memory_space<semaphore_mem>>) src(%dma_wait3A_98 : memref<128x16xf32, #tpu.memory_space<vmem>>) dst(%dma_wait3A_94 : memref<128x16xf32, #tpu.memory_space<vmem_shared>>)
        tpu.yield
      }) : () -> ()
      %mul3A_69 = arith.constant 3128 : i32
      %mul3A_70 = arith.muli %arg1, %mul3A_69 : i32
      %mul3A_71 = arith.constant 128 : i32
      %mul3A_72 = arith.muli %scan3A_61, %mul3A_71 : i32
      %add3A_73 = arith.addi %mul3A_70, %mul3A_72 : i32
      %run_scoped3A_74 = arith.constant 0 : i32
      "tpu.region"() ({
        %run_scoped3A_76 = tpu.sem_alloc : memref<!tpu.dma_semaphore, #tpu.memory_space<semaphore_mem>>
        %dma_start3A = arith.constant 0 : i32
        %dma_start3A_77 = arith.constant 0 : i32
        %dma_start3A_78 = tpu.memref_slice %arg10[%run_scoped3A_74, %dma_start3A, %dma_start3A_77] : memref<8x128x16xf32, #tpu.memory_space<vmem>> -> memref<1x128x16xf32, #tpu.memory_space<vmem>>
        %dma_start3A_79 = tpu.memref_squeeze %dma_start3A_78 : memref<1x128x16xf32, #tpu.memory_space<vmem>> -> memref<128x16xf32, #tpu.memory_space<vmem>>
        %dma_start3A_80 = arith.constant 0 : i32
        %dma_start3A_81 = tpu.memref_slice %arg7[%add3A_73, %dma_start3A_80] : memref<50048x16xf32, #tpu.memory_space<vmem_shared>> -> memref<128x16xf32, #tpu.memory_space<vmem_shared>>
        %dma_start3A_82 = arith.constant 0 : i32
        %dma_start3A_83 = tpu.memref_slice %arg7[%add3A_73, %dma_start3A_82] : memref<50048x16xf32, #tpu.memory_space<vmem_shared>> -> memref<128x16xf32, #tpu.memory_space<vmem_shared>>
        %dma_start3A_84 = arith.constant 0 : i32
        %dma_start3A_85 = arith.constant 0 : i32
        %dma_start3A_86 = tpu.memref_slice %arg10[%run_scoped3A_74, %dma_start3A_84, %dma_start3A_85] : memref<8x128x16xf32, #tpu.memory_space<vmem>> -> memref<1x128x16xf32, #tpu.memory_space<vmem>>
        %dma_start3A_87 = tpu.memref_squeeze %dma_start3A_86 : memref<1x128x16xf32, #tpu.memory_space<vmem>> -> memref<128x16xf32, #tpu.memory_space<vmem>>
        tpu.enqueue_dma source(%dma_start3A_87 : memref<128x16xf32, #tpu.memory_space<vmem>>) target(%dma_start3A_83 : memref<128x16xf32, #tpu.memory_space<vmem_shared>>) target_semaphore(%run_scoped3A_76 : memref<!tpu.dma_semaphore, #tpu.memory_space<semaphore_mem>>)
        %dma_wait3A = arith.constant 0 : i32
        %dma_wait3A_88 = arith.constant 0 : i32
        %dma_wait3A_89 = tpu.memref_slice %arg10[%run_scoped3A_74, %dma_wait3A, %dma_wait3A_88] : memref<8x128x16xf32, #tpu.memory_space<vmem>> -> memref<1x128x16xf32, #tpu.memory_space<vmem>>
        %dma_wait3A_90 = tpu.memref_squeeze %dma_wait3A_89 : memref<1x128x16xf32, #tpu.memory_space<vmem>> -> memref<128x16xf32, #tpu.memory_space<vmem>>
        %dma_wait3A_91 = arith.constant 0 : i32
        %dma_wait3A_92 = tpu.memref_slice %arg7[%add3A_73, %dma_wait3A_91] : memref<50048x16xf32, #tpu.memory_space<vmem_shared>> -> memref<128x16xf32, #tpu.memory_space<vmem_shared>>
        %dma_wait3A_93 = arith.constant 0 : i32
        %dma_wait3A_94 = tpu.memref_slice %arg7[%add3A_73, %dma_wait3A_93] : memref<50048x16xf32, #tpu.memory_space<vmem_shared>> -> memref<128x16xf32, #tpu.memory_space<vmem_shared>>
        %dma_wait3A_95 = arith.constant 0 : i32
        %dma_wait3A_96 = arith.constant 0 : i32
        %dma_wait3A_97 = tpu.memref_slice %arg10[%run_scoped3A_74, %dma_wait3A_95, %dma_wait3A_96] : memref<8x128x16xf32, #tpu.memory_space<vmem>> -> memref<1x128x16xf32, #tpu.memory_space<vmem>>
        %dma_wait3A_98 = tpu.memref_squeeze %dma_wait3A_97 : memref<1x128x16xf32, #tpu.memory_space<vmem>> -> memref<128x16xf32, #tpu.memory_space<vmem>>
        tpu.wait_dma2 semaphore(%run_scoped3A_76 : memref<!tpu.dma_semaphore, #tpu.memory_space<semaphore_mem>>) src(%dma_wait3A_98 : memref<128x16xf32, #tpu.memory_space<vmem>>) dst(%dma_wait3A_94 : memref<128x16xf32, #tpu.memory_space<vmem_shared>>)
        tpu.yield
      }) : () -> ()
      %scan3A_75 = arith.constant 0 : i32
      scf.yield %scan3A_75 : i32
    }
    %scan3A_12 = arith.constant 24 : i32
    %mul3A = arith.constant 3128 : i32
    %mul3A_13 = arith.muli %arg1, %mul3A : i32
    %add3A = arith.constant 3072 : i32
    %add3A_14 = arith.addi %mul3A_13, %add3A : i32
    %run_scoped3A = arith.constant 0 : i32
    "tpu.region"() ({
      %run_scoped3A_61 = tpu.sem_alloc : memref<!tpu.dma_semaphore, #tpu.memory_space<semaphore_mem>>
      %dma_start3A = arith.constant 0 : i32
      %dma_start3A_62 = arith.constant 0 : i32
      %dma_start3A_63 = tpu.memref_slice %arg10[%run_scoped3A, %dma_start3A, %dma_start3A_62] : memref<8x128x16xf32, #tpu.memory_space<vmem>> -> memref<1x128x16xf32, #tpu.memory_space<vmem>>
      %dma_start3A_64 = tpu.memref_squeeze %dma_start3A_63 : memref<1x128x16xf32, #tpu.memory_space<vmem>> -> memref<128x16xf32, #tpu.memory_space<vmem>>
      %dma_start3A_65 = arith.constant 0 : i32
      %dma_start3A_66 = arith.constant 0 : i32
      %dma_start3A_67 = tpu.memref_slice %dma_start3A_64[%dma_start3A_65, %dma_start3A_66] : memref<128x16xf32, #tpu.memory_space<vmem>> -> memref<56x16xf32, #tpu.memory_space<vmem>>
      %dma_start3A_68 = arith.constant 0 : i32
      %dma_start3A_69 = tpu.memref_slice %arg6[%add3A_14, %dma_start3A_68] : memref<50048x16xf32, #tpu.memory_space<vmem_shared>> -> memref<56x16xf32, #tpu.memory_space<vmem_shared>>
      %dma_start3A_70 = arith.constant 0 : i32
      %dma_start3A_71 = tpu.memref_slice %arg6[%add3A_14, %dma_start3A_70] : memref<50048x16xf32, #tpu.memory_space<vmem_shared>> -> memref<56x16xf32, #tpu.memory_space<vmem_shared>>
      %dma_start3A_72 = arith.constant 0 : i32
      %dma_start3A_73 = arith.constant 0 : i32
      %dma_start3A_74 = tpu.memref_slice %arg10[%run_scoped3A, %dma_start3A_72, %dma_start3A_73] : memref<8x128x16xf32, #tpu.memory_space<vmem>> -> memref<1x128x16xf32, #tpu.memory_space<vmem>>
      %dma_start3A_75 = tpu.memref_squeeze %dma_start3A_74 : memref<1x128x16xf32, #tpu.memory_space<vmem>> -> memref<128x16xf32, #tpu.memory_space<vmem>>
      %dma_start3A_76 = arith.constant 0 : i32
      %dma_start3A_77 = arith.constant 0 : i32
      %dma_start3A_78 = tpu.memref_slice %dma_start3A_75[%dma_start3A_76, %dma_start3A_77] : memref<128x16xf32, #tpu.memory_space<vmem>> -> memref<56x16xf32, #tpu.memory_space<vmem>>
      tpu.enqueue_dma source(%dma_start3A_78 : memref<56x16xf32, #tpu.memory_space<vmem>>) target(%dma_start3A_71 : memref<56x16xf32, #tpu.memory_space<vmem_shared>>) target_semaphore(%run_scoped3A_61 : memref<!tpu.dma_semaphore, #tpu.memory_space<semaphore_mem>>)
      %dma_wait3A = arith.constant 0 : i32
      %dma_wait3A_79 = arith.constant 0 : i32
      %dma_wait3A_80 = tpu.memref_slice %arg10[%run_scoped3A, %dma_wait3A, %dma_wait3A_79] : memref<8x128x16xf32, #tpu.memory_space<vmem>> -> memref<1x128x16xf32, #tpu.memory_space<vmem>>
      %dma_wait3A_81 = tpu.memref_squeeze %dma_wait3A_80 : memref<1x128x16xf32, #tpu.memory_space<vmem>> -> memref<128x16xf32, #tpu.memory_space<vmem>>
      %dma_wait3A_82 = arith.constant 0 : i32
      %dma_wait3A_83 = arith.constant 0 : i32
      %dma_wait3A_84 = tpu.memref_slice %dma_wait3A_81[%dma_wait3A_82, %dma_wait3A_83] : memref<128x16xf32, #tpu.memory_space<vmem>> -> memref<56x16xf32, #tpu.memory_space<vmem>>
      %dma_wait3A_85 = arith.constant 0 : i32
      %dma_wait3A_86 = tpu.memref_slice %arg6[%add3A_14, %dma_wait3A_85] : memref<50048x16xf32, #tpu.memory_space<vmem_shared>> -> memref<56x16xf32, #tpu.memory_space<vmem_shared>>
      %dma_wait3A_87 = arith.constant 0 : i32
      %dma_wait3A_88 = tpu.memref_slice %arg6[%add3A_14, %dma_wait3A_87] : memref<50048x16xf32, #tpu.memory_space<vmem_shared>> -> memref<56x16xf32, #tpu.memory_space<vmem_shared>>
      %dma_wait3A_89 = arith.constant 0 : i32
      %dma_wait3A_90 = arith.constant 0 : i32
      %dma_wait3A_91 = tpu.memref_slice %arg10[%run_scoped3A, %dma_wait3A_89, %dma_wait3A_90] : memref<8x128x16xf32, #tpu.memory_space<vmem>> -> memref<1x128x16xf32, #tpu.memory_space<vmem>>
      %dma_wait3A_92 = tpu.memref_squeeze %dma_wait3A_91 : memref<1x128x16xf32, #tpu.memory_space<vmem>> -> memref<128x16xf32, #tpu.memory_space<vmem>>
      %dma_wait3A_93 = arith.constant 0 : i32
      %dma_wait3A_94 = arith.constant 0 : i32
      %dma_wait3A_95 = tpu.memref_slice %dma_wait3A_92[%dma_wait3A_93, %dma_wait3A_94] : memref<128x16xf32, #tpu.memory_space<vmem>> -> memref<56x16xf32, #tpu.memory_space<vmem>>
      tpu.wait_dma2 semaphore(%run_scoped3A_61 : memref<!tpu.dma_semaphore, #tpu.memory_space<semaphore_mem>>) src(%dma_wait3A_95 : memref<56x16xf32, #tpu.memory_space<vmem>>) dst(%dma_wait3A_88 : memref<56x16xf32, #tpu.memory_space<vmem_shared>>)
      tpu.yield
    }) : () -> ()
    %mul3A_15 = arith.constant 3128 : i32
    %mul3A_16 = arith.muli %arg1, %mul3A_15 : i32
    %add3A_17 = arith.constant 3072 : i32
    %add3A_18 = arith.addi %mul3A_16, %add3A_17 : i32
    %run_scoped3A_19 = arith.constant 0 : i32
    "tpu.region"() ({
      %run_scoped3A_61 = tpu.sem_alloc : memref<!tpu.dma_semaphore, #tpu.memory_space<semaphore_mem>>
      %dma_start3A = arith.constant 0 : i32
      %dma_start3A_62 = arith.constant 0 : i32
      %dma_start3A_63 = tpu.memref_slice %arg10[%run_scoped3A_19, %dma_start3A, %dma_start3A_62] : memref<8x128x16xf32, #tpu.memory_space<vmem>> -> memref<1x128x16xf32, #tpu.memory_space<vmem>>
      %dma_start3A_64 = tpu.memref_squeeze %dma_start3A_63 : memref<1x128x16xf32, #tpu.memory_space<vmem>> -> memref<128x16xf32, #tpu.memory_space<vmem>>
      %dma_start3A_65 = arith.constant 0 : i32
      %dma_start3A_66 = arith.constant 0 : i32
      %dma_start3A_67 = tpu.memref_slice %dma_start3A_64[%dma_start3A_65, %dma_start3A_66] : memref<128x16xf32, #tpu.memory_space<vmem>> -> memref<56x16xf32, #tpu.memory_space<vmem>>
      %dma_start3A_68 = arith.constant 0 : i32
      %dma_start3A_69 = tpu.memref_slice %arg7[%add3A_18, %dma_start3A_68] : memref<50048x16xf32, #tpu.memory_space<vmem_shared>> -> memref<56x16xf32, #tpu.memory_space<vmem_shared>>
      %dma_start3A_70 = arith.constant 0 : i32
      %dma_start3A_71 = tpu.memref_slice %arg7[%add3A_18, %dma_start3A_70] : memref<50048x16xf32, #tpu.memory_space<vmem_shared>> -> memref<56x16xf32, #tpu.memory_space<vmem_shared>>
      %dma_start3A_72 = arith.constant 0 : i32
      %dma_start3A_73 = arith.constant 0 : i32
      %dma_start3A_74 = tpu.memref_slice %arg10[%run_scoped3A_19, %dma_start3A_72, %dma_start3A_73] : memref<8x128x16xf32, #tpu.memory_space<vmem>> -> memref<1x128x16xf32, #tpu.memory_space<vmem>>
      %dma_start3A_75 = tpu.memref_squeeze %dma_start3A_74 : memref<1x128x16xf32, #tpu.memory_space<vmem>> -> memref<128x16xf32, #tpu.memory_space<vmem>>
      %dma_start3A_76 = arith.constant 0 : i32
      %dma_start3A_77 = arith.constant 0 : i32
      %dma_start3A_78 = tpu.memref_slice %dma_start3A_75[%dma_start3A_76, %dma_start3A_77] : memref<128x16xf32, #tpu.memory_space<vmem>> -> memref<56x16xf32, #tpu.memory_space<vmem>>
      tpu.enqueue_dma source(%dma_start3A_78 : memref<56x16xf32, #tpu.memory_space<vmem>>) target(%dma_start3A_71 : memref<56x16xf32, #tpu.memory_space<vmem_shared>>) target_semaphore(%run_scoped3A_61 : memref<!tpu.dma_semaphore, #tpu.memory_space<semaphore_mem>>)
      %dma_wait3A = arith.constant 0 : i32
      %dma_wait3A_79 = arith.constant 0 : i32
      %dma_wait3A_80 = tpu.memref_slice %arg10[%run_scoped3A_19, %dma_wait3A, %dma_wait3A_79] : memref<8x128x16xf32, #tpu.memory_space<vmem>> -> memref<1x128x16xf32, #tpu.memory_space<vmem>>
      %dma_wait3A_81 = tpu.memref_squeeze %dma_wait3A_80 : memref<1x128x16xf32, #tpu.memory_space<vmem>> -> memref<128x16xf32, #tpu.memory_space<vmem>>
      %dma_wait3A_82 = arith.constant 0 : i32
      %dma_wait3A_83 = arith.constant 0 : i32
      %dma_wait3A_84 = tpu.memref_slice %dma_wait3A_81[%dma_wait3A_82, %dma_wait3A_83] : memref<128x16xf32, #tpu.memory_space<vmem>> -> memref<56x16xf32, #tpu.memory_space<vmem>>
      %dma_wait3A_85 = arith.constant 0 : i32
      %dma_wait3A_86 = tpu.memref_slice %arg7[%add3A_18, %dma_wait3A_85] : memref<50048x16xf32, #tpu.memory_space<vmem_shared>> -> memref<56x16xf32, #tpu.memory_space<vmem_shared>>
      %dma_wait3A_87 = arith.constant 0 : i32
      %dma_wait3A_88 = tpu.memref_slice %arg7[%add3A_18, %dma_wait3A_87] : memref<50048x16xf32, #tpu.memory_space<vmem_shared>> -> memref<56x16xf32, #tpu.memory_space<vmem_shared>>
      %dma_wait3A_89 = arith.constant 0 : i32
      %dma_wait3A_90 = arith.constant 0 : i32
      %dma_wait3A_91 = tpu.memref_slice %arg10[%run_scoped3A_19, %dma_wait3A_89, %dma_wait3A_90] : memref<8x128x16xf32, #tpu.memory_space<vmem>> -> memref<1x128x16xf32, #tpu.memory_space<vmem>>
      %dma_wait3A_92 = tpu.memref_squeeze %dma_wait3A_91 : memref<1x128x16xf32, #tpu.memory_space<vmem>> -> memref<128x16xf32, #tpu.memory_space<vmem>>
      %dma_wait3A_93 = arith.constant 0 : i32
      %dma_wait3A_94 = arith.constant 0 : i32
      %dma_wait3A_95 = tpu.memref_slice %dma_wait3A_92[%dma_wait3A_93, %dma_wait3A_94] : memref<128x16xf32, #tpu.memory_space<vmem>> -> memref<56x16xf32, #tpu.memory_space<vmem>>
      tpu.wait_dma2 semaphore(%run_scoped3A_61 : memref<!tpu.dma_semaphore, #tpu.memory_space<semaphore_mem>>) src(%dma_wait3A_95 : memref<56x16xf32, #tpu.memory_space<vmem>>) dst(%dma_wait3A_88 : memref<56x16xf32, #tpu.memory_space<vmem_shared>>)
      tpu.yield
    }) : () -> ()
    %eq3A = arith.constant 0 : i32
    %eq3A_20 = arith.cmpi eq, %arg0, %eq3A : i32
    %lt3A = arith.constant 15 : i32
    %lt3A_21 = arith.cmpi slt, %arg1, %lt3A : i32
    %and3A = arith.andi %eq3A_20, %lt3A_21 : i1
    %convert_element_type3A = arith.extui %and3A : i1 to i32
    %cond3A = arith.constant 0 : i32
    %cond3A_22 = arith.cmpi ne, %convert_element_type3A, %cond3A : i32
    scf.if %cond3A_22 {
      %mul3A_61 = arith.constant 3128 : i32
      %mul3A_62 = arith.muli %arg1, %mul3A_61 : i32
      %mul3A_63 = arith.constant 3128 : i32
      %mul3A_64 = arith.muli %arg1, %mul3A_63 : i32
      "tpu.region"() ({
        %run_scoped3A_65 = tpu.sem_alloc : memref<!tpu.dma_semaphore, #tpu.memory_space<semaphore_mem>>
        %dma_start3A = arith.constant 0 : i32
        %dma_start3A_66 = tpu.memref_slice %arg7[%mul3A_64, %dma_start3A] : memref<50048x16xf32, #tpu.memory_space<vmem_shared>> -> memref<3128x16xf32, #tpu.memory_space<vmem_shared>>
        %dma_start3A_67 = arith.constant 0 : i32
        %dma_start3A_68 = tpu.memref_slice %arg2[%mul3A_62, %dma_start3A_67] : memref<50000x16xf32, #tpu.memory_space<hbm>> -> memref<3128x16xf32, #tpu.memory_space<hbm>>
        tpu.enqueue_dma source(%dma_start3A_68 : memref<3128x16xf32, #tpu.memory_space<hbm>>) target(%dma_start3A_66 : memref<3128x16xf32, #tpu.memory_space<vmem_shared>>) target_semaphore(%run_scoped3A_65 : memref<!tpu.dma_semaphore, #tpu.memory_space<semaphore_mem>>)
        %dma_wait3A = arith.constant 0 : i32
        %dma_wait3A_69 = tpu.memref_slice %arg7[%mul3A_64, %dma_wait3A] : memref<50048x16xf32, #tpu.memory_space<vmem_shared>> -> memref<3128x16xf32, #tpu.memory_space<vmem_shared>>
        %dma_wait3A_70 = arith.constant 0 : i32
        %dma_wait3A_71 = tpu.memref_slice %arg2[%mul3A_62, %dma_wait3A_70] : memref<50000x16xf32, #tpu.memory_space<hbm>> -> memref<3128x16xf32, #tpu.memory_space<hbm>>
        tpu.wait_dma2 semaphore(%run_scoped3A_65 : memref<!tpu.dma_semaphore, #tpu.memory_space<semaphore_mem>>) src(%dma_wait3A_71 : memref<3128x16xf32, #tpu.memory_space<hbm>>) dst(%dma_wait3A_69 : memref<3128x16xf32, #tpu.memory_space<vmem_shared>>)
        tpu.yield
      }) : () -> ()
    } else {
    }
    %eq3A_23 = arith.constant 0 : i32
    %eq3A_24 = arith.cmpi eq, %arg0, %eq3A_23 : i32
    %eq3A_25 = arith.constant 15 : i32
    %eq3A_26 = arith.cmpi eq, %arg1, %eq3A_25 : i32
    %and3A_27 = arith.andi %eq3A_24, %eq3A_26 : i1
    %convert_element_type3A_28 = arith.extui %and3A_27 : i1 to i32
    %cond3A_29 = arith.constant 0 : i32
    %cond3A_30 = arith.cmpi ne, %convert_element_type3A_28, %cond3A_29 : i32
    scf.if %cond3A_30 {
      "tpu.region"() ({
        %run_scoped3A_61 = tpu.sem_alloc : memref<!tpu.dma_semaphore, #tpu.memory_space<semaphore_mem>>
        %dma_start3A = arith.constant 46920 : i32
        %dma_start3A_62 = arith.constant 0 : i32
        %dma_start3A_63 = tpu.memref_slice %arg7[%dma_start3A, %dma_start3A_62] : memref<50048x16xf32, #tpu.memory_space<vmem_shared>> -> memref<3080x16xf32, #tpu.memory_space<vmem_shared>>
        %dma_start3A_64 = arith.constant 46920 : i32
        %dma_start3A_65 = arith.constant 0 : i32
        %dma_start3A_66 = tpu.memref_slice %arg2[%dma_start3A_64, %dma_start3A_65] : memref<50000x16xf32, #tpu.memory_space<hbm>> -> memref<3080x16xf32, #tpu.memory_space<hbm>>
        tpu.enqueue_dma source(%dma_start3A_66 : memref<3080x16xf32, #tpu.memory_space<hbm>>) target(%dma_start3A_63 : memref<3080x16xf32, #tpu.memory_space<vmem_shared>>) target_semaphore(%run_scoped3A_61 : memref<!tpu.dma_semaphore, #tpu.memory_space<semaphore_mem>>)
        %dma_wait3A = arith.constant 46920 : i32
        %dma_wait3A_67 = arith.constant 0 : i32
        %dma_wait3A_68 = tpu.memref_slice %arg7[%dma_wait3A, %dma_wait3A_67] : memref<50048x16xf32, #tpu.memory_space<vmem_shared>> -> memref<3080x16xf32, #tpu.memory_space<vmem_shared>>
        %dma_wait3A_69 = arith.constant 46920 : i32
        %dma_wait3A_70 = arith.constant 0 : i32
        %dma_wait3A_71 = tpu.memref_slice %arg2[%dma_wait3A_69, %dma_wait3A_70] : memref<50000x16xf32, #tpu.memory_space<hbm>> -> memref<3080x16xf32, #tpu.memory_space<hbm>>
        tpu.wait_dma2 semaphore(%run_scoped3A_61 : memref<!tpu.dma_semaphore, #tpu.memory_space<semaphore_mem>>) src(%dma_wait3A_71 : memref<3080x16xf32, #tpu.memory_space<hbm>>) dst(%dma_wait3A_68 : memref<3080x16xf32, #tpu.memory_space<vmem_shared>>)
        tpu.yield
      }) : () -> ()
    } else {
    }
    %eq3A_31 = arith.constant 1 : i32
    %eq3A_32 = arith.cmpi eq, %arg0, %eq3A_31 : i32
    %lt3A_33 = arith.constant 15 : i32
    %lt3A_34 = arith.cmpi slt, %arg1, %lt3A_33 : i32
    %and3A_35 = arith.andi %eq3A_32, %lt3A_34 : i1
    %convert_element_type3A_36 = arith.extui %and3A_35 : i1 to i32
    %cond3A_37 = arith.constant 0 : i32
    %cond3A_38 = arith.cmpi ne, %convert_element_type3A_36, %cond3A_37 : i32
    scf.if %cond3A_38 {
      %mul3A_61 = arith.constant 3128 : i32
      %mul3A_62 = arith.muli %arg1, %mul3A_61 : i32
      %mul3A_63 = arith.constant 3128 : i32
      %mul3A_64 = arith.muli %arg1, %mul3A_63 : i32
      "tpu.region"() ({
        %run_scoped3A_65 = tpu.sem_alloc : memref<!tpu.dma_semaphore, #tpu.memory_space<semaphore_mem>>
        %dma_start3A = arith.constant 0 : i32
        %dma_start3A_66 = tpu.memref_slice %arg7[%mul3A_64, %dma_start3A] : memref<50048x16xf32, #tpu.memory_space<vmem_shared>> -> memref<3128x16xf32, #tpu.memory_space<vmem_shared>>
        %dma_start3A_67 = arith.constant 0 : i32
        %dma_start3A_68 = tpu.memref_slice %arg3[%mul3A_62, %dma_start3A_67] : memref<50000x16xf32, #tpu.memory_space<hbm>> -> memref<3128x16xf32, #tpu.memory_space<hbm>>
        tpu.enqueue_dma source(%dma_start3A_68 : memref<3128x16xf32, #tpu.memory_space<hbm>>) target(%dma_start3A_66 : memref<3128x16xf32, #tpu.memory_space<vmem_shared>>) target_semaphore(%run_scoped3A_65 : memref<!tpu.dma_semaphore, #tpu.memory_space<semaphore_mem>>)
        %dma_wait3A = arith.constant 0 : i32
        %dma_wait3A_69 = tpu.memref_slice %arg7[%mul3A_64, %dma_wait3A] : memref<50048x16xf32, #tpu.memory_space<vmem_shared>> -> memref<3128x16xf32, #tpu.memory_space<vmem_shared>>
        %dma_wait3A_70 = arith.constant 0 : i32
        %dma_wait3A_71 = tpu.memref_slice %arg3[%mul3A_62, %dma_wait3A_70] : memref<50000x16xf32, #tpu.memory_space<hbm>> -> memref<3128x16xf32, #tpu.memory_space<hbm>>
        tpu.wait_dma2 semaphore(%run_scoped3A_65 : memref<!tpu.dma_semaphore, #tpu.memory_space<semaphore_mem>>) src(%dma_wait3A_71 : memref<3128x16xf32, #tpu.memory_space<hbm>>) dst(%dma_wait3A_69 : memref<3128x16xf32, #tpu.memory_space<vmem_shared>>)
        tpu.yield
      }) : () -> ()
    } else {
    }
    %eq3A_39 = arith.constant 1 : i32
    %eq3A_40 = arith.cmpi eq, %arg0, %eq3A_39 : i32
    %eq3A_41 = arith.constant 15 : i32
    %eq3A_42 = arith.cmpi eq, %arg1, %eq3A_41 : i32
    %and3A_43 = arith.andi %eq3A_40, %eq3A_42 : i1
    %convert_element_type3A_44 = arith.extui %and3A_43 : i1 to i32
    %cond3A_45 = arith.constant 0 : i32
    %cond3A_46 = arith.cmpi ne, %convert_element_type3A_44, %cond3A_45 : i32
    scf.if %cond3A_46 {
      "tpu.region"() ({
        %run_scoped3A_61 = tpu.sem_alloc : memref<!tpu.dma_semaphore, #tpu.memory_space<semaphore_mem>>
        %dma_start3A = arith.constant 46920 : i32
        %dma_start3A_62 = arith.constant 0 : i32
        %dma_start3A_63 = tpu.memref_slice %arg7[%dma_start3A, %dma_start3A_62] : memref<50048x16xf32, #tpu.memory_space<vmem_shared>> -> memref<3080x16xf32, #tpu.memory_space<vmem_shared>>
        %dma_start3A_64 = arith.constant 46920 : i32
        %dma_start3A_65 = arith.constant 0 : i32
        %dma_start3A_66 = tpu.memref_slice %arg3[%dma_start3A_64, %dma_start3A_65] : memref<50000x16xf32, #tpu.memory_space<hbm>> -> memref<3080x16xf32, #tpu.memory_space<hbm>>
        tpu.enqueue_dma source(%dma_start3A_66 : memref<3080x16xf32, #tpu.memory_space<hbm>>) target(%dma_start3A_63 : memref<3080x16xf32, #tpu.memory_space<vmem_shared>>) target_semaphore(%run_scoped3A_61 : memref<!tpu.dma_semaphore, #tpu.memory_space<semaphore_mem>>)
        %dma_wait3A = arith.constant 46920 : i32
        %dma_wait3A_67 = arith.constant 0 : i32
        %dma_wait3A_68 = tpu.memref_slice %arg7[%dma_wait3A, %dma_wait3A_67] : memref<50048x16xf32, #tpu.memory_space<vmem_shared>> -> memref<3080x16xf32, #tpu.memory_space<vmem_shared>>
        %dma_wait3A_69 = arith.constant 46920 : i32
        %dma_wait3A_70 = arith.constant 0 : i32
        %dma_wait3A_71 = tpu.memref_slice %arg3[%dma_wait3A_69, %dma_wait3A_70] : memref<50000x16xf32, #tpu.memory_space<hbm>> -> memref<3080x16xf32, #tpu.memory_space<hbm>>
        tpu.wait_dma2 semaphore(%run_scoped3A_61 : memref<!tpu.dma_semaphore, #tpu.memory_space<semaphore_mem>>) src(%dma_wait3A_71 : memref<3080x16xf32, #tpu.memory_space<hbm>>) dst(%dma_wait3A_68 : memref<3080x16xf32, #tpu.memory_space<vmem_shared>>)
        tpu.yield
      }) : () -> ()
    } else {
    }
    %barrier3A = arith.constant 0 : index
    tpu.barrier barrier_id(%barrier3A)
    %mul3A_47 = arith.constant 784 : i32
    %mul3A_48 = arith.muli %arg1, %mul3A_47 : i32
    %scan3A_49 = arith.constant 0 : i32
    %scan3A_50 = arith.constant 0 : i32
    %scan3A_51 = arith.constant 14 : i32
    %scan3A_52 = arith.addi %scan3A_50, %scan3A_51 : i32
    %scan3A_53 = arith.constant 1 : i32
    %scan3A_54 = scf.for %scan3A_61 = %scan3A_50 to %scan3A_52 step %scan3A_53 iter_args(%scan3A_62 = %scan3A_49) -> (i32)  : i32 {
      %mul3A_63 = arith.constant 56 : i32
      %mul3A_64 = arith.muli %scan3A_61, %mul3A_63 : i32
      %add3A_65 = arith.addi %mul3A_48, %mul3A_64 : i32
      "tpu.region"() ({
        %run_scoped3A_268 = tpu.sem_alloc : memref<!tpu.dma_semaphore, #tpu.memory_space<semaphore_mem>>
        %dma_start3A_269 = arith.constant 0 : i32
        %dma_start3A_270 = tpu.memref_slice %arg4[%arg0, %add3A_65, %dma_start3A_269] : memref<2x12544x128xi32, #tpu.memory_space<hbm>> -> memref<1x56x128xi32, #tpu.memory_space<hbm>>
        %dma_start3A_271 = tpu.memref_squeeze %dma_start3A_270 : memref<1x56x128xi32, #tpu.memory_space<hbm>> -> memref<56x128xi32, #tpu.memory_space<hbm>>
        %dma_start3A_272 = arith.constant 0 : i32
        %dma_start3A_273 = tpu.memref_slice %arg4[%arg0, %add3A_65, %dma_start3A_272] : memref<2x12544x128xi32, #tpu.memory_space<hbm>> -> memref<1x56x128xi32, #tpu.memory_space<hbm>>
        %dma_start3A_274 = tpu.memref_squeeze %dma_start3A_273 : memref<1x56x128xi32, #tpu.memory_space<hbm>> -> memref<56x128xi32, #tpu.memory_space<hbm>>
        tpu.enqueue_dma source(%dma_start3A_274 : memref<56x128xi32, #tpu.memory_space<hbm>>) target(%arg8 : memref<56x128xi32, #tpu.memory_space<vmem>>) target_semaphore(%run_scoped3A_268 : memref<!tpu.dma_semaphore, #tpu.memory_space<semaphore_mem>>)
        %dma_wait3A_275 = arith.constant 0 : i32
        %dma_wait3A_276 = tpu.memref_slice %arg4[%arg0, %add3A_65, %dma_wait3A_275] : memref<2x12544x128xi32, #tpu.memory_space<hbm>> -> memref<1x56x128xi32, #tpu.memory_space<hbm>>
        %dma_wait3A_277 = tpu.memref_squeeze %dma_wait3A_276 : memref<1x56x128xi32, #tpu.memory_space<hbm>> -> memref<56x128xi32, #tpu.memory_space<hbm>>
        %dma_wait3A_278 = arith.constant 0 : i32
        %dma_wait3A_279 = tpu.memref_slice %arg4[%arg0, %add3A_65, %dma_wait3A_278] : memref<2x12544x128xi32, #tpu.memory_space<hbm>> -> memref<1x56x128xi32, #tpu.memory_space<hbm>>
        %dma_wait3A_280 = tpu.memref_squeeze %dma_wait3A_279 : memref<1x56x128xi32, #tpu.memory_space<hbm>> -> memref<56x128xi32, #tpu.memory_space<hbm>>
        tpu.wait_dma2 semaphore(%run_scoped3A_268 : memref<!tpu.dma_semaphore, #tpu.memory_space<semaphore_mem>>) src(%dma_wait3A_280 : memref<56x128xi32, #tpu.memory_space<hbm>>) dst(%arg8 : memref<56x128xi32, #tpu.memory_space<vmem>>)
        tpu.yield
      }) : () -> ()
      %sub3A = arith.constant 1 : i32
      %sub3A_66 = arith.subi %sub3A, %arg0 : i32
      "tpu.region"() ({
        %run_scoped3A_268 = tpu.sem_alloc : memref<!tpu.dma_semaphore, #tpu.memory_space<semaphore_mem>>
        %dma_start3A_269 = arith.constant 0 : i32
        %dma_start3A_270 = tpu.memref_slice %arg4[%sub3A_66, %add3A_65, %dma_start3A_269] : memref<2x12544x128xi32, #tpu.memory_space<hbm>> -> memref<1x56x128xi32, #tpu.memory_space<hbm>>
        %dma_start3A_271 = tpu.memref_squeeze %dma_start3A_270 : memref<1x56x128xi32, #tpu.memory_space<hbm>> -> memref<56x128xi32, #tpu.memory_space<hbm>>
        %dma_start3A_272 = arith.constant 0 : i32
        %dma_start3A_273 = tpu.memref_slice %arg4[%sub3A_66, %add3A_65, %dma_start3A_272] : memref<2x12544x128xi32, #tpu.memory_space<hbm>> -> memref<1x56x128xi32, #tpu.memory_space<hbm>>
        %dma_start3A_274 = tpu.memref_squeeze %dma_start3A_273 : memref<1x56x128xi32, #tpu.memory_space<hbm>> -> memref<56x128xi32, #tpu.memory_space<hbm>>
        tpu.enqueue_dma source(%dma_start3A_274 : memref<56x128xi32, #tpu.memory_space<hbm>>) target(%arg9 : memref<56x128xi32, #tpu.memory_space<vmem>>) target_semaphore(%run_scoped3A_268 : memref<!tpu.dma_semaphore, #tpu.memory_space<semaphore_mem>>)
        %dma_wait3A_275 = arith.constant 0 : i32
        %dma_wait3A_276 = tpu.memref_slice %arg4[%sub3A_66, %add3A_65, %dma_wait3A_275] : memref<2x12544x128xi32, #tpu.memory_space<hbm>> -> memref<1x56x128xi32, #tpu.memory_space<hbm>>
        %dma_wait3A_277 = tpu.memref_squeeze %dma_wait3A_276 : memref<1x56x128xi32, #tpu.memory_space<hbm>> -> memref<56x128xi32, #tpu.memory_space<hbm>>
        %dma_wait3A_278 = arith.constant 0 : i32
        %dma_wait3A_279 = tpu.memref_slice %arg4[%sub3A_66, %add3A_65, %dma_wait3A_278] : memref<2x12544x128xi32, #tpu.memory_space<hbm>> -> memref<1x56x128xi32, #tpu.memory_space<hbm>>
        %dma_wait3A_280 = tpu.memref_squeeze %dma_wait3A_279 : memref<1x56x128xi32, #tpu.memory_space<hbm>> -> memref<56x128xi32, #tpu.memory_space<hbm>>
        tpu.wait_dma2 semaphore(%run_scoped3A_268 : memref<!tpu.dma_semaphore, #tpu.memory_space<semaphore_mem>>) src(%dma_wait3A_280 : memref<56x128xi32, #tpu.memory_space<hbm>>) dst(%arg9 : memref<56x128xi32, #tpu.memory_space<vmem>>)
        tpu.yield
      }) : () -> ()
      %dma_start3A = arith.constant 0 : i32
      %dma_start3A_67 = arith.constant 0 : i32
      %dma_start3A_68 = arith.constant 0 : i32
      %dma_start3A_69 = arith.constant 0 : i32
      %dma_start3A_70 = arith.constant 0 : i32
      %dma_start3A_71 = tpu.memref_slice %arg10[%dma_start3A_67, %dma_start3A_69, %dma_start3A_70] : memref<8x128x16xf32, #tpu.memory_space<vmem>> -> memref<1x128x16xf32, #tpu.memory_space<vmem>>
      %dma_start3A_72 = tpu.memref_squeeze %dma_start3A_71 : memref<1x128x16xf32, #tpu.memory_space<vmem>> -> memref<128x16xf32, #tpu.memory_space<vmem>>
      %dma_start3A_73 = arith.constant 0 : i32
      %dma_start3A_74 = tpu.memref_slice %arg8[%dma_start3A, %dma_start3A_73] : memref<56x128xi32, #tpu.memory_space<vmem>> -> memref<1x128xi32, #tpu.memory_space<vmem>>
      %dma_start3A_75 = tpu.memref_squeeze %dma_start3A_74 : memref<1x128xi32, #tpu.memory_space<vmem>> -> memref<128xi32, #tpu.memory_space<vmem>>
      %dma_start3A_76 = arith.constant 0 : i32
      %dma_start3A_77 = arith.constant 0 : i32
      %dma_start3A_78 = tpu.memref_slice %arg7[%dma_start3A_76, %dma_start3A_77] : memref<50048x16xf32, #tpu.memory_space<vmem_shared>> -> memref<50048x16xf32, #tpu.memory_space<vmem_shared>>
      %dma_start3A_79 = tpu.memref_slice %arg11[%dma_start3A_68] : memref<8x!tpu.dma_semaphore, #tpu.memory_space<semaphore_mem>> -> memref<1x!tpu.dma_semaphore, #tpu.memory_space<semaphore_mem>>
      %dma_start3A_80 = tpu.memref_squeeze %dma_start3A_79 : memref<1x!tpu.dma_semaphore, #tpu.memory_space<semaphore_mem>> -> memref<!tpu.dma_semaphore, #tpu.memory_space<semaphore_mem>>
      tpu.enqueue_indirect_dma source(%dma_start3A_78 : memref<50048x16xf32, #tpu.memory_space<vmem_shared>>) target(%dma_start3A_72 : memref<128x16xf32, #tpu.memory_space<vmem>>) offsets(%dma_start3A_75 : memref<128xi32, #tpu.memory_space<vmem>>) semaphore(%dma_start3A_80 : memref<!tpu.dma_semaphore, #tpu.memory_space<semaphore_mem>>)
      %dma_start3A_81 = arith.constant 1 : i32
      %dma_start3A_82 = arith.constant 1 : i32
      %dma_start3A_83 = arith.constant 1 : i32
      %dma_start3A_84 = arith.constant 0 : i32
      %dma_start3A_85 = arith.constant 0 : i32
      %dma_start3A_86 = tpu.memref_slice %arg10[%dma_start3A_82, %dma_start3A_84, %dma_start3A_85] : memref<8x128x16xf32, #tpu.memory_space<vmem>> -> memref<1x128x16xf32, #tpu.memory_space<vmem>>
      %dma_start3A_87 = tpu.memref_squeeze %dma_start3A_86 : memref<1x128x16xf32, #tpu.memory_space<vmem>> -> memref<128x16xf32, #tpu.memory_space<vmem>>
      %dma_start3A_88 = arith.constant 0 : i32
      %dma_start3A_89 = tpu.memref_slice %arg8[%dma_start3A_81, %dma_start3A_88] : memref<56x128xi32, #tpu.memory_space<vmem>> -> memref<1x128xi32, #tpu.memory_space<vmem>>
      %dma_start3A_90 = tpu.memref_squeeze %dma_start3A_89 : memref<1x128xi32, #tpu.memory_space<vmem>> -> memref<128xi32, #tpu.memory_space<vmem>>
      %dma_start3A_91 = arith.constant 0 : i32
      %dma_start3A_92 = arith.constant 0 : i32
      %dma_start3A_93 = tpu.memref_slice %arg7[%dma_start3A_91, %dma_start3A_92] : memref<50048x16xf32, #tpu.memory_space<vmem_shared>> -> memref<50048x16xf32, #tpu.memory_space<vmem_shared>>
      %dma_start3A_94 = tpu.memref_slice %arg11[%dma_start3A_83] : memref<8x!tpu.dma_semaphore, #tpu.memory_space<semaphore_mem>> -> memref<1x!tpu.dma_semaphore, #tpu.memory_space<semaphore_mem>>
      %dma_start3A_95 = tpu.memref_squeeze %dma_start3A_94 : memref<1x!tpu.dma_semaphore, #tpu.memory_space<semaphore_mem>> -> memref<!tpu.dma_semaphore, #tpu.memory_space<semaphore_mem>>
      tpu.enqueue_indirect_dma source(%dma_start3A_93 : memref<50048x16xf32, #tpu.memory_space<vmem_shared>>) target(%dma_start3A_87 : memref<128x16xf32, #tpu.memory_space<vmem>>) offsets(%dma_start3A_90 : memref<128xi32, #tpu.memory_space<vmem>>) semaphore(%dma_start3A_95 : memref<!tpu.dma_semaphore, #tpu.memory_space<semaphore_mem>>)
      %dma_start3A_96 = arith.constant 2 : i32
      %dma_start3A_97 = arith.constant 2 : i32
      %dma_start3A_98 = arith.constant 2 : i32
      %dma_start3A_99 = arith.constant 0 : i32
      %dma_start3A_100 = arith.constant 0 : i32
      %dma_start3A_101 = tpu.memref_slice %arg10[%dma_start3A_97, %dma_start3A_99, %dma_start3A_100] : memref<8x128x16xf32, #tpu.memory_space<vmem>> -> memref<1x128x16xf32, #tpu.memory_space<vmem>>
      %dma_start3A_102 = tpu.memref_squeeze %dma_start3A_101 : memref<1x128x16xf32, #tpu.memory_space<vmem>> -> memref<128x16xf32, #tpu.memory_space<vmem>>
      %dma_start3A_103 = arith.constant 0 : i32
      %dma_start3A_104 = tpu.memref_slice %arg8[%dma_start3A_96, %dma_start3A_103] : memref<56x128xi32, #tpu.memory_space<vmem>> -> memref<1x128xi32, #tpu.memory_space<vmem>>
      %dma_start3A_105 = tpu.memref_squeeze %dma_start3A_104 : memref<1x128xi32, #tpu.memory_space<vmem>> -> memref<128xi32, #tpu.memory_space<vmem>>
      %dma_start3A_106 = arith.constant 0 : i32
      %dma_start3A_107 = arith.constant 0 : i32
      %dma_start3A_108 = tpu.memref_slice %arg7[%dma_start3A_106, %dma_start3A_107] : memref<50048x16xf32, #tpu.memory_space<vmem_shared>> -> memref<50048x16xf32, #tpu.memory_space<vmem_shared>>
      %dma_start3A_109 = tpu.memref_slice %arg11[%dma_start3A_98] : memref<8x!tpu.dma_semaphore, #tpu.memory_space<semaphore_mem>> -> memref<1x!tpu.dma_semaphore, #tpu.memory_space<semaphore_mem>>
      %dma_start3A_110 = tpu.memref_squeeze %dma_start3A_109 : memref<1x!tpu.dma_semaphore, #tpu.memory_space<semaphore_mem>> -> memref<!tpu.dma_semaphore, #tpu.memory_space<semaphore_mem>>
      tpu.enqueue_indirect_dma source(%dma_start3A_108 : memref<50048x16xf32, #tpu.memory_space<vmem_shared>>) target(%dma_start3A_102 : memref<128x16xf32, #tpu.memory_space<vmem>>) offsets(%dma_start3A_105 : memref<128xi32, #tpu.memory_space<vmem>>) semaphore(%dma_start3A_110 : memref<!tpu.dma_semaphore, #tpu.memory_space<semaphore_mem>>)
      %dma_start3A_111 = arith.constant 3 : i32
      %dma_start3A_112 = arith.constant 3 : i32
      %dma_start3A_113 = arith.constant 3 : i32
      %dma_start3A_114 = arith.constant 0 : i32
      %dma_start3A_115 = arith.constant 0 : i32
      %dma_start3A_116 = tpu.memref_slice %arg10[%dma_start3A_112, %dma_start3A_114, %dma_start3A_115] : memref<8x128x16xf32, #tpu.memory_space<vmem>> -> memref<1x128x16xf32, #tpu.memory_space<vmem>>
      %dma_start3A_117 = tpu.memref_squeeze %dma_start3A_116 : memref<1x128x16xf32, #tpu.memory_space<vmem>> -> memref<128x16xf32, #tpu.memory_space<vmem>>
      %dma_start3A_118 = arith.constant 0 : i32
      %dma_start3A_119 = tpu.memref_slice %arg8[%dma_start3A_111, %dma_start3A_118] : memref<56x128xi32, #tpu.memory_space<vmem>> -> memref<1x128xi32, #tpu.memory_space<vmem>>
      %dma_start3A_120 = tpu.memref_squeeze %dma_start3A_119 : memref<1x128xi32, #tpu.memory_space<vmem>> -> memref<128xi32, #tpu.memory_space<vmem>>
      %dma_start3A_121 = arith.constant 0 : i32
      %dma_start3A_122 = arith.constant 0 : i32
      %dma_start3A_123 = tpu.memref_slice %arg7[%dma_start3A_121, %dma_start3A_122] : memref<50048x16xf32, #tpu.memory_space<vmem_shared>> -> memref<50048x16xf32, #tpu.memory_space<vmem_shared>>
      %dma_start3A_124 = tpu.memref_slice %arg11[%dma_start3A_113] : memref<8x!tpu.dma_semaphore, #tpu.memory_space<semaphore_mem>> -> memref<1x!tpu.dma_semaphore, #tpu.memory_space<semaphore_mem>>
      %dma_start3A_125 = tpu.memref_squeeze %dma_start3A_124 : memref<1x!tpu.dma_semaphore, #tpu.memory_space<semaphore_mem>> -> memref<!tpu.dma_semaphore, #tpu.memory_space<semaphore_mem>>
      tpu.enqueue_indirect_dma source(%dma_start3A_123 : memref<50048x16xf32, #tpu.memory_space<vmem_shared>>) target(%dma_start3A_117 : memref<128x16xf32, #tpu.memory_space<vmem>>) offsets(%dma_start3A_120 : memref<128xi32, #tpu.memory_space<vmem>>) semaphore(%dma_start3A_125 : memref<!tpu.dma_semaphore, #tpu.memory_space<semaphore_mem>>)
      %dma_start3A_126 = arith.constant 4 : i32
      %dma_start3A_127 = arith.constant 4 : i32
      %dma_start3A_128 = arith.constant 4 : i32
      %dma_start3A_129 = arith.constant 0 : i32
      %dma_start3A_130 = arith.constant 0 : i32
      %dma_start3A_131 = tpu.memref_slice %arg10[%dma_start3A_127, %dma_start3A_129, %dma_start3A_130] : memref<8x128x16xf32, #tpu.memory_space<vmem>> -> memref<1x128x16xf32, #tpu.memory_space<vmem>>
      %dma_start3A_132 = tpu.memref_squeeze %dma_start3A_131 : memref<1x128x16xf32, #tpu.memory_space<vmem>> -> memref<128x16xf32, #tpu.memory_space<vmem>>
      %dma_start3A_133 = arith.constant 0 : i32
      %dma_start3A_134 = tpu.memref_slice %arg8[%dma_start3A_126, %dma_start3A_133] : memref<56x128xi32, #tpu.memory_space<vmem>> -> memref<1x128xi32, #tpu.memory_space<vmem>>
      %dma_start3A_135 = tpu.memref_squeeze %dma_start3A_134 : memref<1x128xi32, #tpu.memory_space<vmem>> -> memref<128xi32, #tpu.memory_space<vmem>>
      %dma_start3A_136 = arith.constant 0 : i32
      %dma_start3A_137 = arith.constant 0 : i32
      %dma_start3A_138 = tpu.memref_slice %arg7[%dma_start3A_136, %dma_start3A_137] : memref<50048x16xf32, #tpu.memory_space<vmem_shared>> -> memref<50048x16xf32, #tpu.memory_space<vmem_shared>>
      %dma_start3A_139 = tpu.memref_slice %arg11[%dma_start3A_128] : memref<8x!tpu.dma_semaphore, #tpu.memory_space<semaphore_mem>> -> memref<1x!tpu.dma_semaphore, #tpu.memory_space<semaphore_mem>>
      %dma_start3A_140 = tpu.memref_squeeze %dma_start3A_139 : memref<1x!tpu.dma_semaphore, #tpu.memory_space<semaphore_mem>> -> memref<!tpu.dma_semaphore, #tpu.memory_space<semaphore_mem>>
      tpu.enqueue_indirect_dma source(%dma_start3A_138 : memref<50048x16xf32, #tpu.memory_space<vmem_shared>>) target(%dma_start3A_132 : memref<128x16xf32, #tpu.memory_space<vmem>>) offsets(%dma_start3A_135 : memref<128xi32, #tpu.memory_space<vmem>>) semaphore(%dma_start3A_140 : memref<!tpu.dma_semaphore, #tpu.memory_space<semaphore_mem>>)
      %scan3A_141 = arith.constant 0 : i32
      %scan3A_142 = arith.constant 0 : i32
      %scan3A_143 = arith.constant 7 : i32
      %scan3A_144 = arith.addi %scan3A_142, %scan3A_143 : i32
      %scan3A_145 = arith.constant 1 : i32
      %scan3A_146 = scf.for %scan3A_268 = %scan3A_142 to %scan3A_144 step %scan3A_145 iter_args(%scan3A_269 = %scan3A_141) -> (i32)  : i32 {
        %mul3A_270 = arith.constant 8 : i32
        %mul3A_271 = arith.muli %scan3A_268, %mul3A_270 : i32
        %add3A_272 = arith.constant 0 : i32
        %add3A_273 = arith.addi %mul3A_271, %add3A_272 : i32
        %dma_wait3A_274 = arith.constant 0 : i32
        %dma_wait3A_275 = arith.constant 0 : i32
        %dma_wait3A_276 = arith.constant 0 : i32
        %dma_wait3A_277 = arith.constant 0 : i32
        %dma_wait3A_278 = tpu.memref_slice %arg10[%dma_wait3A_274, %dma_wait3A_276, %dma_wait3A_277] : memref<8x128x16xf32, #tpu.memory_space<vmem>> -> memref<1x128x16xf32, #tpu.memory_space<vmem>>
        %dma_wait3A_279 = tpu.memref_squeeze %dma_wait3A_278 : memref<1x128x16xf32, #tpu.memory_space<vmem>> -> memref<128x16xf32, #tpu.memory_space<vmem>>
        %dma_wait3A_280 = arith.constant 0 : i32
        %dma_wait3A_281 = tpu.memref_slice %arg8[%add3A_273, %dma_wait3A_280] : memref<56x128xi32, #tpu.memory_space<vmem>> -> memref<1x128xi32, #tpu.memory_space<vmem>>
        %dma_wait3A_282 = tpu.memref_squeeze %dma_wait3A_281 : memref<1x128xi32, #tpu.memory_space<vmem>> -> memref<128xi32, #tpu.memory_space<vmem>>
        %dma_wait3A_283 = arith.constant 0 : i32
        %dma_wait3A_284 = arith.constant 0 : i32
        %dma_wait3A_285 = tpu.memref_slice %arg7[%dma_wait3A_283, %dma_wait3A_284] : memref<50048x16xf32, #tpu.memory_space<vmem_shared>> -> memref<50048x16xf32, #tpu.memory_space<vmem_shared>>
        %dma_wait3A_286 = tpu.memref_slice %arg11[%dma_wait3A_275] : memref<8x!tpu.dma_semaphore, #tpu.memory_space<semaphore_mem>> -> memref<1x!tpu.dma_semaphore, #tpu.memory_space<semaphore_mem>>
        %dma_wait3A_287 = tpu.memref_squeeze %dma_wait3A_286 : memref<1x!tpu.dma_semaphore, #tpu.memory_space<semaphore_mem>> -> memref<!tpu.dma_semaphore, #tpu.memory_space<semaphore_mem>>
        tpu.wait_indirect_dma semaphore(%dma_wait3A_287 : memref<!tpu.dma_semaphore, #tpu.memory_space<semaphore_mem>>) src(%dma_wait3A_285 : memref<50048x16xf32, #tpu.memory_space<vmem_shared>>) dst(%dma_wait3A_279 : memref<128x16xf32, #tpu.memory_space<vmem>>)
        %dma_start3A_288 = arith.constant 0 : i32
        %dma_start3A_289 = arith.constant 0 : i32
        %dma_start3A_290 = arith.constant 0 : i32
        %dma_start3A_291 = arith.constant 0 : i32
        %dma_start3A_292 = tpu.memref_slice %arg10[%dma_start3A_288, %dma_start3A_290, %dma_start3A_291] : memref<8x128x16xf32, #tpu.memory_space<vmem>> -> memref<1x128x16xf32, #tpu.memory_space<vmem>>
        %dma_start3A_293 = tpu.memref_squeeze %dma_start3A_292 : memref<1x128x16xf32, #tpu.memory_space<vmem>> -> memref<128x16xf32, #tpu.memory_space<vmem>>
        %dma_start3A_294 = arith.constant 0 : i32
        %dma_start3A_295 = tpu.memref_slice %arg9[%add3A_273, %dma_start3A_294] : memref<56x128xi32, #tpu.memory_space<vmem>> -> memref<1x128xi32, #tpu.memory_space<vmem>>
        %dma_start3A_296 = tpu.memref_squeeze %dma_start3A_295 : memref<1x128xi32, #tpu.memory_space<vmem>> -> memref<128xi32, #tpu.memory_space<vmem>>
        %dma_start3A_297 = arith.constant 0 : i32
        %dma_start3A_298 = arith.constant 0 : i32
        %dma_start3A_299 = tpu.memref_slice %arg6[%dma_start3A_297, %dma_start3A_298] : memref<50048x16xf32, #tpu.memory_space<vmem_shared>> -> memref<50048x16xf32, #tpu.memory_space<vmem_shared>>
        %dma_start3A_300 = tpu.memref_slice %arg12[%dma_start3A_289] : memref<8x!tpu.dma_semaphore, #tpu.memory_space<semaphore_mem>> -> memref<1x!tpu.dma_semaphore, #tpu.memory_space<semaphore_mem>>
        %dma_start3A_301 = tpu.memref_squeeze %dma_start3A_300 : memref<1x!tpu.dma_semaphore, #tpu.memory_space<semaphore_mem>> -> memref<!tpu.dma_semaphore, #tpu.memory_space<semaphore_mem>>
        tpu.enqueue_indirect_dma source(%dma_start3A_293 : memref<128x16xf32, #tpu.memory_space<vmem>>) target(%dma_start3A_299 : memref<50048x16xf32, #tpu.memory_space<vmem_shared>>) offsets(%dma_start3A_296 : memref<128xi32, #tpu.memory_space<vmem>>) semaphore(%dma_start3A_301 : memref<!tpu.dma_semaphore, #tpu.memory_space<semaphore_mem>>) {add = true}
        %add3A_302 = arith.constant 5 : i32
        %add3A_303 = arith.addi %add3A_273, %add3A_302 : i32
        %lt3A_304 = arith.constant 56 : i32
        %lt3A_305 = arith.cmpi slt, %add3A_303, %lt3A_304 : i32
        %convert_element_type3A_306 = arith.extui %lt3A_305 : i1 to i32
        %cond3A_307 = arith.constant 0 : i32
        %cond3A_308 = arith.cmpi ne, %convert_element_type3A_306, %cond3A_307 : i32
        scf.if %cond3A_308 {
          %sub3A_569 = arith.constant 8 : i32
          %sub3A_570 = arith.subi %add3A_303, %sub3A_569 : i32
          %ge3A = arith.constant 0 : i32
          %ge3A_571 = arith.cmpi sge, %sub3A_570, %ge3A : i32
          %convert_element_type3A_572 = arith.extui %ge3A_571 : i1 to i32
          %cond3A_573 = arith.constant 0 : i32
          %cond3A_574 = arith.cmpi ne, %convert_element_type3A_572, %cond3A_573 : i32
          scf.if %cond3A_574 {
            %dma_wait3A_589 = arith.constant 5 : i32
            %dma_wait3A_590 = arith.constant 5 : i32
            %dma_wait3A_591 = arith.constant 0 : i32
            %dma_wait3A_592 = arith.constant 0 : i32
            %dma_wait3A_593 = tpu.memref_slice %arg10[%dma_wait3A_589, %dma_wait3A_591, %dma_wait3A_592] : memref<8x128x16xf32, #tpu.memory_space<vmem>> -> memref<1x128x16xf32, #tpu.memory_space<vmem>>
            %dma_wait3A_594 = tpu.memref_squeeze %dma_wait3A_593 : memref<1x128x16xf32, #tpu.memory_space<vmem>> -> memref<128x16xf32, #tpu.memory_space<vmem>>
            %dma_wait3A_595 = arith.constant 0 : i32
            %dma_wait3A_596 = tpu.memref_slice %arg9[%add3A_273, %dma_wait3A_595] : memref<56x128xi32, #tpu.memory_space<vmem>> -> memref<1x128xi32, #tpu.memory_space<vmem>>
            %dma_wait3A_597 = tpu.memref_squeeze %dma_wait3A_596 : memref<1x128xi32, #tpu.memory_space<vmem>> -> memref<128xi32, #tpu.memory_space<vmem>>
            %dma_wait3A_598 = arith.constant 0 : i32
            %dma_wait3A_599 = arith.constant 0 : i32
            %dma_wait3A_600 = tpu.memref_slice %arg6[%dma_wait3A_598, %dma_wait3A_599] : memref<50048x16xf32, #tpu.memory_space<vmem_shared>> -> memref<50048x16xf32, #tpu.memory_space<vmem_shared>>
            %dma_wait3A_601 = tpu.memref_slice %arg12[%dma_wait3A_590] : memref<8x!tpu.dma_semaphore, #tpu.memory_space<semaphore_mem>> -> memref<1x!tpu.dma_semaphore, #tpu.memory_space<semaphore_mem>>
            %dma_wait3A_602 = tpu.memref_squeeze %dma_wait3A_601 : memref<1x!tpu.dma_semaphore, #tpu.memory_space<semaphore_mem>> -> memref<!tpu.dma_semaphore, #tpu.memory_space<semaphore_mem>>
            tpu.wait_indirect_dma semaphore(%dma_wait3A_602 : memref<!tpu.dma_semaphore, #tpu.memory_space<semaphore_mem>>) src(%dma_wait3A_594 : memref<128x16xf32, #tpu.memory_space<vmem>>) dst(%dma_wait3A_600 : memref<50048x16xf32, #tpu.memory_space<vmem_shared>>)
          } else {
          }
          %dma_start3A_575 = arith.constant 5 : i32
          %dma_start3A_576 = arith.constant 5 : i32
          %dma_start3A_577 = arith.constant 0 : i32
          %dma_start3A_578 = arith.constant 0 : i32
          %dma_start3A_579 = tpu.memref_slice %arg10[%dma_start3A_575, %dma_start3A_577, %dma_start3A_578] : memref<8x128x16xf32, #tpu.memory_space<vmem>> -> memref<1x128x16xf32, #tpu.memory_space<vmem>>
          %dma_start3A_580 = tpu.memref_squeeze %dma_start3A_579 : memref<1x128x16xf32, #tpu.memory_space<vmem>> -> memref<128x16xf32, #tpu.memory_space<vmem>>
          %dma_start3A_581 = arith.constant 0 : i32
          %dma_start3A_582 = tpu.memref_slice %arg8[%add3A_303, %dma_start3A_581] : memref<56x128xi32, #tpu.memory_space<vmem>> -> memref<1x128xi32, #tpu.memory_space<vmem>>
          %dma_start3A_583 = tpu.memref_squeeze %dma_start3A_582 : memref<1x128xi32, #tpu.memory_space<vmem>> -> memref<128xi32, #tpu.memory_space<vmem>>
          %dma_start3A_584 = arith.constant 0 : i32
          %dma_start3A_585 = arith.constant 0 : i32
          %dma_start3A_586 = tpu.memref_slice %arg7[%dma_start3A_584, %dma_start3A_585] : memref<50048x16xf32, #tpu.memory_space<vmem_shared>> -> memref<50048x16xf32, #tpu.memory_space<vmem_shared>>
          %dma_start3A_587 = tpu.memref_slice %arg11[%dma_start3A_576] : memref<8x!tpu.dma_semaphore, #tpu.memory_space<semaphore_mem>> -> memref<1x!tpu.dma_semaphore, #tpu.memory_space<semaphore_mem>>
          %dma_start3A_588 = tpu.memref_squeeze %dma_start3A_587 : memref<1x!tpu.dma_semaphore, #tpu.memory_space<semaphore_mem>> -> memref<!tpu.dma_semaphore, #tpu.memory_space<semaphore_mem>>
          tpu.enqueue_indirect_dma source(%dma_start3A_586 : memref<50048x16xf32, #tpu.memory_space<vmem_shared>>) target(%dma_start3A_580 : memref<128x16xf32, #tpu.memory_space<vmem>>) offsets(%dma_start3A_583 : memref<128xi32, #tpu.memory_space<vmem>>) semaphore(%dma_start3A_588 : memref<!tpu.dma_semaphore, #tpu.memory_space<semaphore_mem>>)
        } else {
        }
        %add3A_309 = arith.constant 1 : i32
        %add3A_310 = arith.addi %mul3A_271, %add3A_309 : i32
        %dma_wait3A_311 = arith.constant 1 : i32
        %dma_wait3A_312 = arith.constant 1 : i32
        %dma_wait3A_313 = arith.constant 0 : i32
        %dma_wait3A_314 = arith.constant 0 : i32
        %dma_wait3A_315 = tpu.memref_slice %arg10[%dma_wait3A_311, %dma_wait3A_313, %dma_wait3A_314] : memref<8x128x16xf32, #tpu.memory_space<vmem>> -> memref<1x128x16xf32, #tpu.memory_space<vmem>>
        %dma_wait3A_316 = tpu.memref_squeeze %dma_wait3A_315 : memref<1x128x16xf32, #tpu.memory_space<vmem>> -> memref<128x16xf32, #tpu.memory_space<vmem>>
        %dma_wait3A_317 = arith.constant 0 : i32
        %dma_wait3A_318 = tpu.memref_slice %arg8[%add3A_310, %dma_wait3A_317] : memref<56x128xi32, #tpu.memory_space<vmem>> -> memref<1x128xi32, #tpu.memory_space<vmem>>
        %dma_wait3A_319 = tpu.memref_squeeze %dma_wait3A_318 : memref<1x128xi32, #tpu.memory_space<vmem>> -> memref<128xi32, #tpu.memory_space<vmem>>
        %dma_wait3A_320 = arith.constant 0 : i32
        %dma_wait3A_321 = arith.constant 0 : i32
        %dma_wait3A_322 = tpu.memref_slice %arg7[%dma_wait3A_320, %dma_wait3A_321] : memref<50048x16xf32, #tpu.memory_space<vmem_shared>> -> memref<50048x16xf32, #tpu.memory_space<vmem_shared>>
        %dma_wait3A_323 = tpu.memref_slice %arg11[%dma_wait3A_312] : memref<8x!tpu.dma_semaphore, #tpu.memory_space<semaphore_mem>> -> memref<1x!tpu.dma_semaphore, #tpu.memory_space<semaphore_mem>>
        %dma_wait3A_324 = tpu.memref_squeeze %dma_wait3A_323 : memref<1x!tpu.dma_semaphore, #tpu.memory_space<semaphore_mem>> -> memref<!tpu.dma_semaphore, #tpu.memory_space<semaphore_mem>>
        tpu.wait_indirect_dma semaphore(%dma_wait3A_324 : memref<!tpu.dma_semaphore, #tpu.memory_space<semaphore_mem>>) src(%dma_wait3A_322 : memref<50048x16xf32, #tpu.memory_space<vmem_shared>>) dst(%dma_wait3A_316 : memref<128x16xf32, #tpu.memory_space<vmem>>)
        %dma_start3A_325 = arith.constant 1 : i32
        %dma_start3A_326 = arith.constant 1 : i32
        %dma_start3A_327 = arith.constant 0 : i32
        %dma_start3A_328 = arith.constant 0 : i32
        %dma_start3A_329 = tpu.memref_slice %arg10[%dma_start3A_325, %dma_start3A_327, %dma_start3A_328] : memref<8x128x16xf32, #tpu.memory_space<vmem>> -> memref<1x128x16xf32, #tpu.memory_space<vmem>>
        %dma_start3A_330 = tpu.memref_squeeze %dma_start3A_329 : memref<1x128x16xf32, #tpu.memory_space<vmem>> -> memref<128x16xf32, #tpu.memory_space<vmem>>
        %dma_start3A_331 = arith.constant 0 : i32
        %dma_start3A_332 = tpu.memref_slice %arg9[%add3A_310, %dma_start3A_331] : memref<56x128xi32, #tpu.memory_space<vmem>> -> memref<1x128xi32, #tpu.memory_space<vmem>>
        %dma_start3A_333 = tpu.memref_squeeze %dma_start3A_332 : memref<1x128xi32, #tpu.memory_space<vmem>> -> memref<128xi32, #tpu.memory_space<vmem>>
        %dma_start3A_334 = arith.constant 0 : i32
        %dma_start3A_335 = arith.constant 0 : i32
        %dma_start3A_336 = tpu.memref_slice %arg6[%dma_start3A_334, %dma_start3A_335] : memref<50048x16xf32, #tpu.memory_space<vmem_shared>> -> memref<50048x16xf32, #tpu.memory_space<vmem_shared>>
        %dma_start3A_337 = tpu.memref_slice %arg12[%dma_start3A_326] : memref<8x!tpu.dma_semaphore, #tpu.memory_space<semaphore_mem>> -> memref<1x!tpu.dma_semaphore, #tpu.memory_space<semaphore_mem>>
        %dma_start3A_338 = tpu.memref_squeeze %dma_start3A_337 : memref<1x!tpu.dma_semaphore, #tpu.memory_space<semaphore_mem>> -> memref<!tpu.dma_semaphore, #tpu.memory_space<semaphore_mem>>
        tpu.enqueue_indirect_dma source(%dma_start3A_330 : memref<128x16xf32, #tpu.memory_space<vmem>>) target(%dma_start3A_336 : memref<50048x16xf32, #tpu.memory_space<vmem_shared>>) offsets(%dma_start3A_333 : memref<128xi32, #tpu.memory_space<vmem>>) semaphore(%dma_start3A_338 : memref<!tpu.dma_semaphore, #tpu.memory_space<semaphore_mem>>) {add = true}
        %add3A_339 = arith.constant 5 : i32
        %add3A_340 = arith.addi %add3A_310, %add3A_339 : i32
        %lt3A_341 = arith.constant 56 : i32
        %lt3A_342 = arith.cmpi slt, %add3A_340, %lt3A_341 : i32
        %convert_element_type3A_343 = arith.extui %lt3A_342 : i1 to i32
        %cond3A_344 = arith.constant 0 : i32
        %cond3A_345 = arith.cmpi ne, %convert_element_type3A_343, %cond3A_344 : i32
        scf.if %cond3A_345 {
          %sub3A_569 = arith.constant 8 : i32
          %sub3A_570 = arith.subi %add3A_340, %sub3A_569 : i32
          %ge3A = arith.constant 0 : i32
          %ge3A_571 = arith.cmpi sge, %sub3A_570, %ge3A : i32
          %convert_element_type3A_572 = arith.extui %ge3A_571 : i1 to i32
          %cond3A_573 = arith.constant 0 : i32
          %cond3A_574 = arith.cmpi ne, %convert_element_type3A_572, %cond3A_573 : i32
          scf.if %cond3A_574 {
            %dma_wait3A_589 = arith.constant 6 : i32
            %dma_wait3A_590 = arith.constant 6 : i32
            %dma_wait3A_591 = arith.constant 0 : i32
            %dma_wait3A_592 = arith.constant 0 : i32
            %dma_wait3A_593 = tpu.memref_slice %arg10[%dma_wait3A_589, %dma_wait3A_591, %dma_wait3A_592] : memref<8x128x16xf32, #tpu.memory_space<vmem>> -> memref<1x128x16xf32, #tpu.memory_space<vmem>>
            %dma_wait3A_594 = tpu.memref_squeeze %dma_wait3A_593 : memref<1x128x16xf32, #tpu.memory_space<vmem>> -> memref<128x16xf32, #tpu.memory_space<vmem>>
            %dma_wait3A_595 = arith.constant 0 : i32
            %dma_wait3A_596 = tpu.memref_slice %arg9[%add3A_310, %dma_wait3A_595] : memref<56x128xi32, #tpu.memory_space<vmem>> -> memref<1x128xi32, #tpu.memory_space<vmem>>
            %dma_wait3A_597 = tpu.memref_squeeze %dma_wait3A_596 : memref<1x128xi32, #tpu.memory_space<vmem>> -> memref<128xi32, #tpu.memory_space<vmem>>
            %dma_wait3A_598 = arith.constant 0 : i32
            %dma_wait3A_599 = arith.constant 0 : i32
            %dma_wait3A_600 = tpu.memref_slice %arg6[%dma_wait3A_598, %dma_wait3A_599] : memref<50048x16xf32, #tpu.memory_space<vmem_shared>> -> memref<50048x16xf32, #tpu.memory_space<vmem_shared>>
            %dma_wait3A_601 = tpu.memref_slice %arg12[%dma_wait3A_590] : memref<8x!tpu.dma_semaphore, #tpu.memory_space<semaphore_mem>> -> memref<1x!tpu.dma_semaphore, #tpu.memory_space<semaphore_mem>>
            %dma_wait3A_602 = tpu.memref_squeeze %dma_wait3A_601 : memref<1x!tpu.dma_semaphore, #tpu.memory_space<semaphore_mem>> -> memref<!tpu.dma_semaphore, #tpu.memory_space<semaphore_mem>>
            tpu.wait_indirect_dma semaphore(%dma_wait3A_602 : memref<!tpu.dma_semaphore, #tpu.memory_space<semaphore_mem>>) src(%dma_wait3A_594 : memref<128x16xf32, #tpu.memory_space<vmem>>) dst(%dma_wait3A_600 : memref<50048x16xf32, #tpu.memory_space<vmem_shared>>)
          } else {
          }
          %dma_start3A_575 = arith.constant 6 : i32
          %dma_start3A_576 = arith.constant 6 : i32
          %dma_start3A_577 = arith.constant 0 : i32
          %dma_start3A_578 = arith.constant 0 : i32
          %dma_start3A_579 = tpu.memref_slice %arg10[%dma_start3A_575, %dma_start3A_577, %dma_start3A_578] : memref<8x128x16xf32, #tpu.memory_space<vmem>> -> memref<1x128x16xf32, #tpu.memory_space<vmem>>
          %dma_start3A_580 = tpu.memref_squeeze %dma_start3A_579 : memref<1x128x16xf32, #tpu.memory_space<vmem>> -> memref<128x16xf32, #tpu.memory_space<vmem>>
          %dma_start3A_581 = arith.constant 0 : i32
          %dma_start3A_582 = tpu.memref_slice %arg8[%add3A_340, %dma_start3A_581] : memref<56x128xi32, #tpu.memory_space<vmem>> -> memref<1x128xi32, #tpu.memory_space<vmem>>
          %dma_start3A_583 = tpu.memref_squeeze %dma_start3A_582 : memref<1x128xi32, #tpu.memory_space<vmem>> -> memref<128xi32, #tpu.memory_space<vmem>>
          %dma_start3A_584 = arith.constant 0 : i32
          %dma_start3A_585 = arith.constant 0 : i32
          %dma_start3A_586 = tpu.memref_slice %arg7[%dma_start3A_584, %dma_start3A_585] : memref<50048x16xf32, #tpu.memory_space<vmem_shared>> -> memref<50048x16xf32, #tpu.memory_space<vmem_shared>>
          %dma_start3A_587 = tpu.memref_slice %arg11[%dma_start3A_576] : memref<8x!tpu.dma_semaphore, #tpu.memory_space<semaphore_mem>> -> memref<1x!tpu.dma_semaphore, #tpu.memory_space<semaphore_mem>>
          %dma_start3A_588 = tpu.memref_squeeze %dma_start3A_587 : memref<1x!tpu.dma_semaphore, #tpu.memory_space<semaphore_mem>> -> memref<!tpu.dma_semaphore, #tpu.memory_space<semaphore_mem>>
          tpu.enqueue_indirect_dma source(%dma_start3A_586 : memref<50048x16xf32, #tpu.memory_space<vmem_shared>>) target(%dma_start3A_580 : memref<128x16xf32, #tpu.memory_space<vmem>>) offsets(%dma_start3A_583 : memref<128xi32, #tpu.memory_space<vmem>>) semaphore(%dma_start3A_588 : memref<!tpu.dma_semaphore, #tpu.memory_space<semaphore_mem>>)
        } else {
        }
        %add3A_346 = arith.constant 2 : i32
        %add3A_347 = arith.addi %mul3A_271, %add3A_346 : i32
        %dma_wait3A_348 = arith.constant 2 : i32
        %dma_wait3A_349 = arith.constant 2 : i32
        %dma_wait3A_350 = arith.constant 0 : i32
        %dma_wait3A_351 = arith.constant 0 : i32
        %dma_wait3A_352 = tpu.memref_slice %arg10[%dma_wait3A_348, %dma_wait3A_350, %dma_wait3A_351] : memref<8x128x16xf32, #tpu.memory_space<vmem>> -> memref<1x128x16xf32, #tpu.memory_space<vmem>>
        %dma_wait3A_353 = tpu.memref_squeeze %dma_wait3A_352 : memref<1x128x16xf32, #tpu.memory_space<vmem>> -> memref<128x16xf32, #tpu.memory_space<vmem>>
        %dma_wait3A_354 = arith.constant 0 : i32
        %dma_wait3A_355 = tpu.memref_slice %arg8[%add3A_347, %dma_wait3A_354] : memref<56x128xi32, #tpu.memory_space<vmem>> -> memref<1x128xi32, #tpu.memory_space<vmem>>
        %dma_wait3A_356 = tpu.memref_squeeze %dma_wait3A_355 : memref<1x128xi32, #tpu.memory_space<vmem>> -> memref<128xi32, #tpu.memory_space<vmem>>
        %dma_wait3A_357 = arith.constant 0 : i32
        %dma_wait3A_358 = arith.constant 0 : i32
        %dma_wait3A_359 = tpu.memref_slice %arg7[%dma_wait3A_357, %dma_wait3A_358] : memref<50048x16xf32, #tpu.memory_space<vmem_shared>> -> memref<50048x16xf32, #tpu.memory_space<vmem_shared>>
        %dma_wait3A_360 = tpu.memref_slice %arg11[%dma_wait3A_349] : memref<8x!tpu.dma_semaphore, #tpu.memory_space<semaphore_mem>> -> memref<1x!tpu.dma_semaphore, #tpu.memory_space<semaphore_mem>>
        %dma_wait3A_361 = tpu.memref_squeeze %dma_wait3A_360 : memref<1x!tpu.dma_semaphore, #tpu.memory_space<semaphore_mem>> -> memref<!tpu.dma_semaphore, #tpu.memory_space<semaphore_mem>>
        tpu.wait_indirect_dma semaphore(%dma_wait3A_361 : memref<!tpu.dma_semaphore, #tpu.memory_space<semaphore_mem>>) src(%dma_wait3A_359 : memref<50048x16xf32, #tpu.memory_space<vmem_shared>>) dst(%dma_wait3A_353 : memref<128x16xf32, #tpu.memory_space<vmem>>)
        %dma_start3A_362 = arith.constant 2 : i32
        %dma_start3A_363 = arith.constant 2 : i32
        %dma_start3A_364 = arith.constant 0 : i32
        %dma_start3A_365 = arith.constant 0 : i32
        %dma_start3A_366 = tpu.memref_slice %arg10[%dma_start3A_362, %dma_start3A_364, %dma_start3A_365] : memref<8x128x16xf32, #tpu.memory_space<vmem>> -> memref<1x128x16xf32, #tpu.memory_space<vmem>>
        %dma_start3A_367 = tpu.memref_squeeze %dma_start3A_366 : memref<1x128x16xf32, #tpu.memory_space<vmem>> -> memref<128x16xf32, #tpu.memory_space<vmem>>
        %dma_start3A_368 = arith.constant 0 : i32
        %dma_start3A_369 = tpu.memref_slice %arg9[%add3A_347, %dma_start3A_368] : memref<56x128xi32, #tpu.memory_space<vmem>> -> memref<1x128xi32, #tpu.memory_space<vmem>>
        %dma_start3A_370 = tpu.memref_squeeze %dma_start3A_369 : memref<1x128xi32, #tpu.memory_space<vmem>> -> memref<128xi32, #tpu.memory_space<vmem>>
        %dma_start3A_371 = arith.constant 0 : i32
        %dma_start3A_372 = arith.constant 0 : i32
        %dma_start3A_373 = tpu.memref_slice %arg6[%dma_start3A_371, %dma_start3A_372] : memref<50048x16xf32, #tpu.memory_space<vmem_shared>> -> memref<50048x16xf32, #tpu.memory_space<vmem_shared>>
        %dma_start3A_374 = tpu.memref_slice %arg12[%dma_start3A_363] : memref<8x!tpu.dma_semaphore, #tpu.memory_space<semaphore_mem>> -> memref<1x!tpu.dma_semaphore, #tpu.memory_space<semaphore_mem>>
        %dma_start3A_375 = tpu.memref_squeeze %dma_start3A_374 : memref<1x!tpu.dma_semaphore, #tpu.memory_space<semaphore_mem>> -> memref<!tpu.dma_semaphore, #tpu.memory_space<semaphore_mem>>
        tpu.enqueue_indirect_dma source(%dma_start3A_367 : memref<128x16xf32, #tpu.memory_space<vmem>>) target(%dma_start3A_373 : memref<50048x16xf32, #tpu.memory_space<vmem_shared>>) offsets(%dma_start3A_370 : memref<128xi32, #tpu.memory_space<vmem>>) semaphore(%dma_start3A_375 : memref<!tpu.dma_semaphore, #tpu.memory_space<semaphore_mem>>) {add = true}
        %add3A_376 = arith.constant 5 : i32
        %add3A_377 = arith.addi %add3A_347, %add3A_376 : i32
        %lt3A_378 = arith.constant 56 : i32
        %lt3A_379 = arith.cmpi slt, %add3A_377, %lt3A_378 : i32
        %convert_element_type3A_380 = arith.extui %lt3A_379 : i1 to i32
        %cond3A_381 = arith.constant 0 : i32
        %cond3A_382 = arith.cmpi ne, %convert_element_type3A_380, %cond3A_381 : i32
        scf.if %cond3A_382 {
          %sub3A_569 = arith.constant 8 : i32
          %sub3A_570 = arith.subi %add3A_377, %sub3A_569 : i32
          %ge3A = arith.constant 0 : i32
          %ge3A_571 = arith.cmpi sge, %sub3A_570, %ge3A : i32
          %convert_element_type3A_572 = arith.extui %ge3A_571 : i1 to i32
          %cond3A_573 = arith.constant 0 : i32
          %cond3A_574 = arith.cmpi ne, %convert_element_type3A_572, %cond3A_573 : i32
          scf.if %cond3A_574 {
            %dma_wait3A_589 = arith.constant 7 : i32
            %dma_wait3A_590 = arith.constant 7 : i32
            %dma_wait3A_591 = arith.constant 0 : i32
            %dma_wait3A_592 = arith.constant 0 : i32
            %dma_wait3A_593 = tpu.memref_slice %arg10[%dma_wait3A_589, %dma_wait3A_591, %dma_wait3A_592] : memref<8x128x16xf32, #tpu.memory_space<vmem>> -> memref<1x128x16xf32, #tpu.memory_space<vmem>>
            %dma_wait3A_594 = tpu.memref_squeeze %dma_wait3A_593 : memref<1x128x16xf32, #tpu.memory_space<vmem>> -> memref<128x16xf32, #tpu.memory_space<vmem>>
            %dma_wait3A_595 = arith.constant 0 : i32
            %dma_wait3A_596 = tpu.memref_slice %arg9[%add3A_347, %dma_wait3A_595] : memref<56x128xi32, #tpu.memory_space<vmem>> -> memref<1x128xi32, #tpu.memory_space<vmem>>
            %dma_wait3A_597 = tpu.memref_squeeze %dma_wait3A_596 : memref<1x128xi32, #tpu.memory_space<vmem>> -> memref<128xi32, #tpu.memory_space<vmem>>
            %dma_wait3A_598 = arith.constant 0 : i32
            %dma_wait3A_599 = arith.constant 0 : i32
            %dma_wait3A_600 = tpu.memref_slice %arg6[%dma_wait3A_598, %dma_wait3A_599] : memref<50048x16xf32, #tpu.memory_space<vmem_shared>> -> memref<50048x16xf32, #tpu.memory_space<vmem_shared>>
            %dma_wait3A_601 = tpu.memref_slice %arg12[%dma_wait3A_590] : memref<8x!tpu.dma_semaphore, #tpu.memory_space<semaphore_mem>> -> memref<1x!tpu.dma_semaphore, #tpu.memory_space<semaphore_mem>>
            %dma_wait3A_602 = tpu.memref_squeeze %dma_wait3A_601 : memref<1x!tpu.dma_semaphore, #tpu.memory_space<semaphore_mem>> -> memref<!tpu.dma_semaphore, #tpu.memory_space<semaphore_mem>>
            tpu.wait_indirect_dma semaphore(%dma_wait3A_602 : memref<!tpu.dma_semaphore, #tpu.memory_space<semaphore_mem>>) src(%dma_wait3A_594 : memref<128x16xf32, #tpu.memory_space<vmem>>) dst(%dma_wait3A_600 : memref<50048x16xf32, #tpu.memory_space<vmem_shared>>)
          } else {
          }
          %dma_start3A_575 = arith.constant 7 : i32
          %dma_start3A_576 = arith.constant 7 : i32
          %dma_start3A_577 = arith.constant 0 : i32
          %dma_start3A_578 = arith.constant 0 : i32
          %dma_start3A_579 = tpu.memref_slice %arg10[%dma_start3A_575, %dma_start3A_577, %dma_start3A_578] : memref<8x128x16xf32, #tpu.memory_space<vmem>> -> memref<1x128x16xf32, #tpu.memory_space<vmem>>
          %dma_start3A_580 = tpu.memref_squeeze %dma_start3A_579 : memref<1x128x16xf32, #tpu.memory_space<vmem>> -> memref<128x16xf32, #tpu.memory_space<vmem>>
          %dma_start3A_581 = arith.constant 0 : i32
          %dma_start3A_582 = tpu.memref_slice %arg8[%add3A_377, %dma_start3A_581] : memref<56x128xi32, #tpu.memory_space<vmem>> -> memref<1x128xi32, #tpu.memory_space<vmem>>
          %dma_start3A_583 = tpu.memref_squeeze %dma_start3A_582 : memref<1x128xi32, #tpu.memory_space<vmem>> -> memref<128xi32, #tpu.memory_space<vmem>>
          %dma_start3A_584 = arith.constant 0 : i32
          %dma_start3A_585 = arith.constant 0 : i32
          %dma_start3A_586 = tpu.memref_slice %arg7[%dma_start3A_584, %dma_start3A_585] : memref<50048x16xf32, #tpu.memory_space<vmem_shared>> -> memref<50048x16xf32, #tpu.memory_space<vmem_shared>>
          %dma_start3A_587 = tpu.memref_slice %arg11[%dma_start3A_576] : memref<8x!tpu.dma_semaphore, #tpu.memory_space<semaphore_mem>> -> memref<1x!tpu.dma_semaphore, #tpu.memory_space<semaphore_mem>>
          %dma_start3A_588 = tpu.memref_squeeze %dma_start3A_587 : memref<1x!tpu.dma_semaphore, #tpu.memory_space<semaphore_mem>> -> memref<!tpu.dma_semaphore, #tpu.memory_space<semaphore_mem>>
          tpu.enqueue_indirect_dma source(%dma_start3A_586 : memref<50048x16xf32, #tpu.memory_space<vmem_shared>>) target(%dma_start3A_580 : memref<128x16xf32, #tpu.memory_space<vmem>>) offsets(%dma_start3A_583 : memref<128xi32, #tpu.memory_space<vmem>>) semaphore(%dma_start3A_588 : memref<!tpu.dma_semaphore, #tpu.memory_space<semaphore_mem>>)
        } else {
        }
        %add3A_383 = arith.constant 3 : i32
        %add3A_384 = arith.addi %mul3A_271, %add3A_383 : i32
        %dma_wait3A_385 = arith.constant 3 : i32
        %dma_wait3A_386 = arith.constant 3 : i32
        %dma_wait3A_387 = arith.constant 0 : i32
        %dma_wait3A_388 = arith.constant 0 : i32
        %dma_wait3A_389 = tpu.memref_slice %arg10[%dma_wait3A_385, %dma_wait3A_387, %dma_wait3A_388] : memref<8x128x16xf32, #tpu.memory_space<vmem>> -> memref<1x128x16xf32, #tpu.memory_space<vmem>>
        %dma_wait3A_390 = tpu.memref_squeeze %dma_wait3A_389 : memref<1x128x16xf32, #tpu.memory_space<vmem>> -> memref<128x16xf32, #tpu.memory_space<vmem>>
        %dma_wait3A_391 = arith.constant 0 : i32
        %dma_wait3A_392 = tpu.memref_slice %arg8[%add3A_384, %dma_wait3A_391] : memref<56x128xi32, #tpu.memory_space<vmem>> -> memref<1x128xi32, #tpu.memory_space<vmem>>
        %dma_wait3A_393 = tpu.memref_squeeze %dma_wait3A_392 : memref<1x128xi32, #tpu.memory_space<vmem>> -> memref<128xi32, #tpu.memory_space<vmem>>
        %dma_wait3A_394 = arith.constant 0 : i32
        %dma_wait3A_395 = arith.constant 0 : i32
        %dma_wait3A_396 = tpu.memref_slice %arg7[%dma_wait3A_394, %dma_wait3A_395] : memref<50048x16xf32, #tpu.memory_space<vmem_shared>> -> memref<50048x16xf32, #tpu.memory_space<vmem_shared>>
        %dma_wait3A_397 = tpu.memref_slice %arg11[%dma_wait3A_386] : memref<8x!tpu.dma_semaphore, #tpu.memory_space<semaphore_mem>> -> memref<1x!tpu.dma_semaphore, #tpu.memory_space<semaphore_mem>>
        %dma_wait3A_398 = tpu.memref_squeeze %dma_wait3A_397 : memref<1x!tpu.dma_semaphore, #tpu.memory_space<semaphore_mem>> -> memref<!tpu.dma_semaphore, #tpu.memory_space<semaphore_mem>>
        tpu.wait_indirect_dma semaphore(%dma_wait3A_398 : memref<!tpu.dma_semaphore, #tpu.memory_space<semaphore_mem>>) src(%dma_wait3A_396 : memref<50048x16xf32, #tpu.memory_space<vmem_shared>>) dst(%dma_wait3A_390 : memref<128x16xf32, #tpu.memory_space<vmem>>)
        %dma_start3A_399 = arith.constant 3 : i32
        %dma_start3A_400 = arith.constant 3 : i32
        %dma_start3A_401 = arith.constant 0 : i32
        %dma_start3A_402 = arith.constant 0 : i32
        %dma_start3A_403 = tpu.memref_slice %arg10[%dma_start3A_399, %dma_start3A_401, %dma_start3A_402] : memref<8x128x16xf32, #tpu.memory_space<vmem>> -> memref<1x128x16xf32, #tpu.memory_space<vmem>>
        %dma_start3A_404 = tpu.memref_squeeze %dma_start3A_403 : memref<1x128x16xf32, #tpu.memory_space<vmem>> -> memref<128x16xf32, #tpu.memory_space<vmem>>
        %dma_start3A_405 = arith.constant 0 : i32
        %dma_start3A_406 = tpu.memref_slice %arg9[%add3A_384, %dma_start3A_405] : memref<56x128xi32, #tpu.memory_space<vmem>> -> memref<1x128xi32, #tpu.memory_space<vmem>>
        %dma_start3A_407 = tpu.memref_squeeze %dma_start3A_406 : memref<1x128xi32, #tpu.memory_space<vmem>> -> memref<128xi32, #tpu.memory_space<vmem>>
        %dma_start3A_408 = arith.constant 0 : i32
        %dma_start3A_409 = arith.constant 0 : i32
        %dma_start3A_410 = tpu.memref_slice %arg6[%dma_start3A_408, %dma_start3A_409] : memref<50048x16xf32, #tpu.memory_space<vmem_shared>> -> memref<50048x16xf32, #tpu.memory_space<vmem_shared>>
        %dma_start3A_411 = tpu.memref_slice %arg12[%dma_start3A_400] : memref<8x!tpu.dma_semaphore, #tpu.memory_space<semaphore_mem>> -> memref<1x!tpu.dma_semaphore, #tpu.memory_space<semaphore_mem>>
        %dma_start3A_412 = tpu.memref_squeeze %dma_start3A_411 : memref<1x!tpu.dma_semaphore, #tpu.memory_space<semaphore_mem>> -> memref<!tpu.dma_semaphore, #tpu.memory_space<semaphore_mem>>
        tpu.enqueue_indirect_dma source(%dma_start3A_404 : memref<128x16xf32, #tpu.memory_space<vmem>>) target(%dma_start3A_410 : memref<50048x16xf32, #tpu.memory_space<vmem_shared>>) offsets(%dma_start3A_407 : memref<128xi32, #tpu.memory_space<vmem>>) semaphore(%dma_start3A_412 : memref<!tpu.dma_semaphore, #tpu.memory_space<semaphore_mem>>) {add = true}
        %add3A_413 = arith.constant 5 : i32
        %add3A_414 = arith.addi %add3A_384, %add3A_413 : i32
        %lt3A_415 = arith.constant 56 : i32
        %lt3A_416 = arith.cmpi slt, %add3A_414, %lt3A_415 : i32
        %convert_element_type3A_417 = arith.extui %lt3A_416 : i1 to i32
        %cond3A_418 = arith.constant 0 : i32
        %cond3A_419 = arith.cmpi ne, %convert_element_type3A_417, %cond3A_418 : i32
        scf.if %cond3A_419 {
          %sub3A_569 = arith.constant 8 : i32
          %sub3A_570 = arith.subi %add3A_414, %sub3A_569 : i32
          %ge3A = arith.constant 0 : i32
          %ge3A_571 = arith.cmpi sge, %sub3A_570, %ge3A : i32
          %convert_element_type3A_572 = arith.extui %ge3A_571 : i1 to i32
          %cond3A_573 = arith.constant 0 : i32
          %cond3A_574 = arith.cmpi ne, %convert_element_type3A_572, %cond3A_573 : i32
          scf.if %cond3A_574 {
            %dma_wait3A_589 = arith.constant 0 : i32
            %dma_wait3A_590 = arith.constant 0 : i32
            %dma_wait3A_591 = arith.constant 0 : i32
            %dma_wait3A_592 = arith.constant 0 : i32
            %dma_wait3A_593 = tpu.memref_slice %arg10[%dma_wait3A_589, %dma_wait3A_591, %dma_wait3A_592] : memref<8x128x16xf32, #tpu.memory_space<vmem>> -> memref<1x128x16xf32, #tpu.memory_space<vmem>>
            %dma_wait3A_594 = tpu.memref_squeeze %dma_wait3A_593 : memref<1x128x16xf32, #tpu.memory_space<vmem>> -> memref<128x16xf32, #tpu.memory_space<vmem>>
            %dma_wait3A_595 = arith.constant 0 : i32
            %dma_wait3A_596 = tpu.memref_slice %arg9[%add3A_384, %dma_wait3A_595] : memref<56x128xi32, #tpu.memory_space<vmem>> -> memref<1x128xi32, #tpu.memory_space<vmem>>
            %dma_wait3A_597 = tpu.memref_squeeze %dma_wait3A_596 : memref<1x128xi32, #tpu.memory_space<vmem>> -> memref<128xi32, #tpu.memory_space<vmem>>
            %dma_wait3A_598 = arith.constant 0 : i32
            %dma_wait3A_599 = arith.constant 0 : i32
            %dma_wait3A_600 = tpu.memref_slice %arg6[%dma_wait3A_598, %dma_wait3A_599] : memref<50048x16xf32, #tpu.memory_space<vmem_shared>> -> memref<50048x16xf32, #tpu.memory_space<vmem_shared>>
            %dma_wait3A_601 = tpu.memref_slice %arg12[%dma_wait3A_590] : memref<8x!tpu.dma_semaphore, #tpu.memory_space<semaphore_mem>> -> memref<1x!tpu.dma_semaphore, #tpu.memory_space<semaphore_mem>>
            %dma_wait3A_602 = tpu.memref_squeeze %dma_wait3A_601 : memref<1x!tpu.dma_semaphore, #tpu.memory_space<semaphore_mem>> -> memref<!tpu.dma_semaphore, #tpu.memory_space<semaphore_mem>>
            tpu.wait_indirect_dma semaphore(%dma_wait3A_602 : memref<!tpu.dma_semaphore, #tpu.memory_space<semaphore_mem>>) src(%dma_wait3A_594 : memref<128x16xf32, #tpu.memory_space<vmem>>) dst(%dma_wait3A_600 : memref<50048x16xf32, #tpu.memory_space<vmem_shared>>)
          } else {
          }
          %dma_start3A_575 = arith.constant 0 : i32
          %dma_start3A_576 = arith.constant 0 : i32
          %dma_start3A_577 = arith.constant 0 : i32
          %dma_start3A_578 = arith.constant 0 : i32
          %dma_start3A_579 = tpu.memref_slice %arg10[%dma_start3A_575, %dma_start3A_577, %dma_start3A_578] : memref<8x128x16xf32, #tpu.memory_space<vmem>> -> memref<1x128x16xf32, #tpu.memory_space<vmem>>
          %dma_start3A_580 = tpu.memref_squeeze %dma_start3A_579 : memref<1x128x16xf32, #tpu.memory_space<vmem>> -> memref<128x16xf32, #tpu.memory_space<vmem>>
          %dma_start3A_581 = arith.constant 0 : i32
          %dma_start3A_582 = tpu.memref_slice %arg8[%add3A_414, %dma_start3A_581] : memref<56x128xi32, #tpu.memory_space<vmem>> -> memref<1x128xi32, #tpu.memory_space<vmem>>
          %dma_start3A_583 = tpu.memref_squeeze %dma_start3A_582 : memref<1x128xi32, #tpu.memory_space<vmem>> -> memref<128xi32, #tpu.memory_space<vmem>>
          %dma_start3A_584 = arith.constant 0 : i32
          %dma_start3A_585 = arith.constant 0 : i32
          %dma_start3A_586 = tpu.memref_slice %arg7[%dma_start3A_584, %dma_start3A_585] : memref<50048x16xf32, #tpu.memory_space<vmem_shared>> -> memref<50048x16xf32, #tpu.memory_space<vmem_shared>>
          %dma_start3A_587 = tpu.memref_slice %arg11[%dma_start3A_576] : memref<8x!tpu.dma_semaphore, #tpu.memory_space<semaphore_mem>> -> memref<1x!tpu.dma_semaphore, #tpu.memory_space<semaphore_mem>>
          %dma_start3A_588 = tpu.memref_squeeze %dma_start3A_587 : memref<1x!tpu.dma_semaphore, #tpu.memory_space<semaphore_mem>> -> memref<!tpu.dma_semaphore, #tpu.memory_space<semaphore_mem>>
          tpu.enqueue_indirect_dma source(%dma_start3A_586 : memref<50048x16xf32, #tpu.memory_space<vmem_shared>>) target(%dma_start3A_580 : memref<128x16xf32, #tpu.memory_space<vmem>>) offsets(%dma_start3A_583 : memref<128xi32, #tpu.memory_space<vmem>>) semaphore(%dma_start3A_588 : memref<!tpu.dma_semaphore, #tpu.memory_space<semaphore_mem>>)
        } else {
        }
        %add3A_420 = arith.constant 4 : i32
        %add3A_421 = arith.addi %mul3A_271, %add3A_420 : i32
        %dma_wait3A_422 = arith.constant 4 : i32
        %dma_wait3A_423 = arith.constant 4 : i32
        %dma_wait3A_424 = arith.constant 0 : i32
        %dma_wait3A_425 = arith.constant 0 : i32
        %dma_wait3A_426 = tpu.memref_slice %arg10[%dma_wait3A_422, %dma_wait3A_424, %dma_wait3A_425] : memref<8x128x16xf32, #tpu.memory_space<vmem>> -> memref<1x128x16xf32, #tpu.memory_space<vmem>>
        %dma_wait3A_427 = tpu.memref_squeeze %dma_wait3A_426 : memref<1x128x16xf32, #tpu.memory_space<vmem>> -> memref<128x16xf32, #tpu.memory_space<vmem>>
        %dma_wait3A_428 = arith.constant 0 : i32
        %dma_wait3A_429 = tpu.memref_slice %arg8[%add3A_421, %dma_wait3A_428] : memref<56x128xi32, #tpu.memory_space<vmem>> -> memref<1x128xi32, #tpu.memory_space<vmem>>
        %dma_wait3A_430 = tpu.memref_squeeze %dma_wait3A_429 : memref<1x128xi32, #tpu.memory_space<vmem>> -> memref<128xi32, #tpu.memory_space<vmem>>
        %dma_wait3A_431 = arith.constant 0 : i32
        %dma_wait3A_432 = arith.constant 0 : i32
        %dma_wait3A_433 = tpu.memref_slice %arg7[%dma_wait3A_431, %dma_wait3A_432] : memref<50048x16xf32, #tpu.memory_space<vmem_shared>> -> memref<50048x16xf32, #tpu.memory_space<vmem_shared>>
        %dma_wait3A_434 = tpu.memref_slice %arg11[%dma_wait3A_423] : memref<8x!tpu.dma_semaphore, #tpu.memory_space<semaphore_mem>> -> memref<1x!tpu.dma_semaphore, #tpu.memory_space<semaphore_mem>>
        %dma_wait3A_435 = tpu.memref_squeeze %dma_wait3A_434 : memref<1x!tpu.dma_semaphore, #tpu.memory_space<semaphore_mem>> -> memref<!tpu.dma_semaphore, #tpu.memory_space<semaphore_mem>>
        tpu.wait_indirect_dma semaphore(%dma_wait3A_435 : memref<!tpu.dma_semaphore, #tpu.memory_space<semaphore_mem>>) src(%dma_wait3A_433 : memref<50048x16xf32, #tpu.memory_space<vmem_shared>>) dst(%dma_wait3A_427 : memref<128x16xf32, #tpu.memory_space<vmem>>)
        %dma_start3A_436 = arith.constant 4 : i32
        %dma_start3A_437 = arith.constant 4 : i32
        %dma_start3A_438 = arith.constant 0 : i32
        %dma_start3A_439 = arith.constant 0 : i32
        %dma_start3A_440 = tpu.memref_slice %arg10[%dma_start3A_436, %dma_start3A_438, %dma_start3A_439] : memref<8x128x16xf32, #tpu.memory_space<vmem>> -> memref<1x128x16xf32, #tpu.memory_space<vmem>>
        %dma_start3A_441 = tpu.memref_squeeze %dma_start3A_440 : memref<1x128x16xf32, #tpu.memory_space<vmem>> -> memref<128x16xf32, #tpu.memory_space<vmem>>
        %dma_start3A_442 = arith.constant 0 : i32
        %dma_start3A_443 = tpu.memref_slice %arg9[%add3A_421, %dma_start3A_442] : memref<56x128xi32, #tpu.memory_space<vmem>> -> memref<1x128xi32, #tpu.memory_space<vmem>>
        %dma_start3A_444 = tpu.memref_squeeze %dma_start3A_443 : memref<1x128xi32, #tpu.memory_space<vmem>> -> memref<128xi32, #tpu.memory_space<vmem>>
        %dma_start3A_445 = arith.constant 0 : i32
        %dma_start3A_446 = arith.constant 0 : i32
        %dma_start3A_447 = tpu.memref_slice %arg6[%dma_start3A_445, %dma_start3A_446] : memref<50048x16xf32, #tpu.memory_space<vmem_shared>> -> memref<50048x16xf32, #tpu.memory_space<vmem_shared>>
        %dma_start3A_448 = tpu.memref_slice %arg12[%dma_start3A_437] : memref<8x!tpu.dma_semaphore, #tpu.memory_space<semaphore_mem>> -> memref<1x!tpu.dma_semaphore, #tpu.memory_space<semaphore_mem>>
        %dma_start3A_449 = tpu.memref_squeeze %dma_start3A_448 : memref<1x!tpu.dma_semaphore, #tpu.memory_space<semaphore_mem>> -> memref<!tpu.dma_semaphore, #tpu.memory_space<semaphore_mem>>
        tpu.enqueue_indirect_dma source(%dma_start3A_441 : memref<128x16xf32, #tpu.memory_space<vmem>>) target(%dma_start3A_447 : memref<50048x16xf32, #tpu.memory_space<vmem_shared>>) offsets(%dma_start3A_444 : memref<128xi32, #tpu.memory_space<vmem>>) semaphore(%dma_start3A_449 : memref<!tpu.dma_semaphore, #tpu.memory_space<semaphore_mem>>) {add = true}
        %add3A_450 = arith.constant 5 : i32
        %add3A_451 = arith.addi %add3A_421, %add3A_450 : i32
        %lt3A_452 = arith.constant 56 : i32
        %lt3A_453 = arith.cmpi slt, %add3A_451, %lt3A_452 : i32
        %convert_element_type3A_454 = arith.extui %lt3A_453 : i1 to i32
        %cond3A_455 = arith.constant 0 : i32
        %cond3A_456 = arith.cmpi ne, %convert_element_type3A_454, %cond3A_455 : i32
        scf.if %cond3A_456 {
          %sub3A_569 = arith.constant 8 : i32
          %sub3A_570 = arith.subi %add3A_451, %sub3A_569 : i32
          %ge3A = arith.constant 0 : i32
          %ge3A_571 = arith.cmpi sge, %sub3A_570, %ge3A : i32
          %convert_element_type3A_572 = arith.extui %ge3A_571 : i1 to i32
          %cond3A_573 = arith.constant 0 : i32
          %cond3A_574 = arith.cmpi ne, %convert_element_type3A_572, %cond3A_573 : i32
          scf.if %cond3A_574 {
            %dma_wait3A_589 = arith.constant 1 : i32
            %dma_wait3A_590 = arith.constant 1 : i32
            %dma_wait3A_591 = arith.constant 0 : i32
            %dma_wait3A_592 = arith.constant 0 : i32
            %dma_wait3A_593 = tpu.memref_slice %arg10[%dma_wait3A_589, %dma_wait3A_591, %dma_wait3A_592] : memref<8x128x16xf32, #tpu.memory_space<vmem>> -> memref<1x128x16xf32, #tpu.memory_space<vmem>>
            %dma_wait3A_594 = tpu.memref_squeeze %dma_wait3A_593 : memref<1x128x16xf32, #tpu.memory_space<vmem>> -> memref<128x16xf32, #tpu.memory_space<vmem>>
            %dma_wait3A_595 = arith.constant 0 : i32
            %dma_wait3A_596 = tpu.memref_slice %arg9[%add3A_421, %dma_wait3A_595] : memref<56x128xi32, #tpu.memory_space<vmem>> -> memref<1x128xi32, #tpu.memory_space<vmem>>
            %dma_wait3A_597 = tpu.memref_squeeze %dma_wait3A_596 : memref<1x128xi32, #tpu.memory_space<vmem>> -> memref<128xi32, #tpu.memory_space<vmem>>
            %dma_wait3A_598 = arith.constant 0 : i32
            %dma_wait3A_599 = arith.constant 0 : i32
            %dma_wait3A_600 = tpu.memref_slice %arg6[%dma_wait3A_598, %dma_wait3A_599] : memref<50048x16xf32, #tpu.memory_space<vmem_shared>> -> memref<50048x16xf32, #tpu.memory_space<vmem_shared>>
            %dma_wait3A_601 = tpu.memref_slice %arg12[%dma_wait3A_590] : memref<8x!tpu.dma_semaphore, #tpu.memory_space<semaphore_mem>> -> memref<1x!tpu.dma_semaphore, #tpu.memory_space<semaphore_mem>>
            %dma_wait3A_602 = tpu.memref_squeeze %dma_wait3A_601 : memref<1x!tpu.dma_semaphore, #tpu.memory_space<semaphore_mem>> -> memref<!tpu.dma_semaphore, #tpu.memory_space<semaphore_mem>>
            tpu.wait_indirect_dma semaphore(%dma_wait3A_602 : memref<!tpu.dma_semaphore, #tpu.memory_space<semaphore_mem>>) src(%dma_wait3A_594 : memref<128x16xf32, #tpu.memory_space<vmem>>) dst(%dma_wait3A_600 : memref<50048x16xf32, #tpu.memory_space<vmem_shared>>)
          } else {
          }
          %dma_start3A_575 = arith.constant 1 : i32
          %dma_start3A_576 = arith.constant 1 : i32
          %dma_start3A_577 = arith.constant 0 : i32
          %dma_start3A_578 = arith.constant 0 : i32
          %dma_start3A_579 = tpu.memref_slice %arg10[%dma_start3A_575, %dma_start3A_577, %dma_start3A_578] : memref<8x128x16xf32, #tpu.memory_space<vmem>> -> memref<1x128x16xf32, #tpu.memory_space<vmem>>
          %dma_start3A_580 = tpu.memref_squeeze %dma_start3A_579 : memref<1x128x16xf32, #tpu.memory_space<vmem>> -> memref<128x16xf32, #tpu.memory_space<vmem>>
          %dma_start3A_581 = arith.constant 0 : i32
          %dma_start3A_582 = tpu.memref_slice %arg8[%add3A_451, %dma_start3A_581] : memref<56x128xi32, #tpu.memory_space<vmem>> -> memref<1x128xi32, #tpu.memory_space<vmem>>
          %dma_start3A_583 = tpu.memref_squeeze %dma_start3A_582 : memref<1x128xi32, #tpu.memory_space<vmem>> -> memref<128xi32, #tpu.memory_space<vmem>>
          %dma_start3A_584 = arith.constant 0 : i32
          %dma_start3A_585 = arith.constant 0 : i32
          %dma_start3A_586 = tpu.memref_slice %arg7[%dma_start3A_584, %dma_start3A_585] : memref<50048x16xf32, #tpu.memory_space<vmem_shared>> -> memref<50048x16xf32, #tpu.memory_space<vmem_shared>>
          %dma_start3A_587 = tpu.memref_slice %arg11[%dma_start3A_576] : memref<8x!tpu.dma_semaphore, #tpu.memory_space<semaphore_mem>> -> memref<1x!tpu.dma_semaphore, #tpu.memory_space<semaphore_mem>>
          %dma_start3A_588 = tpu.memref_squeeze %dma_start3A_587 : memref<1x!tpu.dma_semaphore, #tpu.memory_space<semaphore_mem>> -> memref<!tpu.dma_semaphore, #tpu.memory_space<semaphore_mem>>
          tpu.enqueue_indirect_dma source(%dma_start3A_586 : memref<50048x16xf32, #tpu.memory_space<vmem_shared>>) target(%dma_start3A_580 : memref<128x16xf32, #tpu.memory_space<vmem>>) offsets(%dma_start3A_583 : memref<128xi32, #tpu.memory_space<vmem>>) semaphore(%dma_start3A_588 : memref<!tpu.dma_semaphore, #tpu.memory_space<semaphore_mem>>)
        } else {
        }
        %add3A_457 = arith.constant 5 : i32
        %add3A_458 = arith.addi %mul3A_271, %add3A_457 : i32
        %dma_wait3A_459 = arith.constant 5 : i32
        %dma_wait3A_460 = arith.constant 5 : i32
        %dma_wait3A_461 = arith.constant 0 : i32
        %dma_wait3A_462 = arith.constant 0 : i32
        %dma_wait3A_463 = tpu.memref_slice %arg10[%dma_wait3A_459, %dma_wait3A_461, %dma_wait3A_462] : memref<8x128x16xf32, #tpu.memory_space<vmem>> -> memref<1x128x16xf32, #tpu.memory_space<vmem>>
        %dma_wait3A_464 = tpu.memref_squeeze %dma_wait3A_463 : memref<1x128x16xf32, #tpu.memory_space<vmem>> -> memref<128x16xf32, #tpu.memory_space<vmem>>
        %dma_wait3A_465 = arith.constant 0 : i32
        %dma_wait3A_466 = tpu.memref_slice %arg8[%add3A_458, %dma_wait3A_465] : memref<56x128xi32, #tpu.memory_space<vmem>> -> memref<1x128xi32, #tpu.memory_space<vmem>>
        %dma_wait3A_467 = tpu.memref_squeeze %dma_wait3A_466 : memref<1x128xi32, #tpu.memory_space<vmem>> -> memref<128xi32, #tpu.memory_space<vmem>>
        %dma_wait3A_468 = arith.constant 0 : i32
        %dma_wait3A_469 = arith.constant 0 : i32
        %dma_wait3A_470 = tpu.memref_slice %arg7[%dma_wait3A_468, %dma_wait3A_469] : memref<50048x16xf32, #tpu.memory_space<vmem_shared>> -> memref<50048x16xf32, #tpu.memory_space<vmem_shared>>
        %dma_wait3A_471 = tpu.memref_slice %arg11[%dma_wait3A_460] : memref<8x!tpu.dma_semaphore, #tpu.memory_space<semaphore_mem>> -> memref<1x!tpu.dma_semaphore, #tpu.memory_space<semaphore_mem>>
        %dma_wait3A_472 = tpu.memref_squeeze %dma_wait3A_471 : memref<1x!tpu.dma_semaphore, #tpu.memory_space<semaphore_mem>> -> memref<!tpu.dma_semaphore, #tpu.memory_space<semaphore_mem>>
        tpu.wait_indirect_dma semaphore(%dma_wait3A_472 : memref<!tpu.dma_semaphore, #tpu.memory_space<semaphore_mem>>) src(%dma_wait3A_470 : memref<50048x16xf32, #tpu.memory_space<vmem_shared>>) dst(%dma_wait3A_464 : memref<128x16xf32, #tpu.memory_space<vmem>>)
        %dma_start3A_473 = arith.constant 5 : i32
        %dma_start3A_474 = arith.constant 5 : i32
        %dma_start3A_475 = arith.constant 0 : i32
        %dma_start3A_476 = arith.constant 0 : i32
        %dma_start3A_477 = tpu.memref_slice %arg10[%dma_start3A_473, %dma_start3A_475, %dma_start3A_476] : memref<8x128x16xf32, #tpu.memory_space<vmem>> -> memref<1x128x16xf32, #tpu.memory_space<vmem>>
        %dma_start3A_478 = tpu.memref_squeeze %dma_start3A_477 : memref<1x128x16xf32, #tpu.memory_space<vmem>> -> memref<128x16xf32, #tpu.memory_space<vmem>>
        %dma_start3A_479 = arith.constant 0 : i32
        %dma_start3A_480 = tpu.memref_slice %arg9[%add3A_458, %dma_start3A_479] : memref<56x128xi32, #tpu.memory_space<vmem>> -> memref<1x128xi32, #tpu.memory_space<vmem>>
        %dma_start3A_481 = tpu.memref_squeeze %dma_start3A_480 : memref<1x128xi32, #tpu.memory_space<vmem>> -> memref<128xi32, #tpu.memory_space<vmem>>
        %dma_start3A_482 = arith.constant 0 : i32
        %dma_start3A_483 = arith.constant 0 : i32
        %dma_start3A_484 = tpu.memref_slice %arg6[%dma_start3A_482, %dma_start3A_483] : memref<50048x16xf32, #tpu.memory_space<vmem_shared>> -> memref<50048x16xf32, #tpu.memory_space<vmem_shared>>
        %dma_start3A_485 = tpu.memref_slice %arg12[%dma_start3A_474] : memref<8x!tpu.dma_semaphore, #tpu.memory_space<semaphore_mem>> -> memref<1x!tpu.dma_semaphore, #tpu.memory_space<semaphore_mem>>
        %dma_start3A_486 = tpu.memref_squeeze %dma_start3A_485 : memref<1x!tpu.dma_semaphore, #tpu.memory_space<semaphore_mem>> -> memref<!tpu.dma_semaphore, #tpu.memory_space<semaphore_mem>>
        tpu.enqueue_indirect_dma source(%dma_start3A_478 : memref<128x16xf32, #tpu.memory_space<vmem>>) target(%dma_start3A_484 : memref<50048x16xf32, #tpu.memory_space<vmem_shared>>) offsets(%dma_start3A_481 : memref<128xi32, #tpu.memory_space<vmem>>) semaphore(%dma_start3A_486 : memref<!tpu.dma_semaphore, #tpu.memory_space<semaphore_mem>>) {add = true}
        %add3A_487 = arith.constant 5 : i32
        %add3A_488 = arith.addi %add3A_458, %add3A_487 : i32
        %lt3A_489 = arith.constant 56 : i32
        %lt3A_490 = arith.cmpi slt, %add3A_488, %lt3A_489 : i32
        %convert_element_type3A_491 = arith.extui %lt3A_490 : i1 to i32
        %cond3A_492 = arith.constant 0 : i32
        %cond3A_493 = arith.cmpi ne, %convert_element_type3A_491, %cond3A_492 : i32
        scf.if %cond3A_493 {
          %sub3A_569 = arith.constant 8 : i32
          %sub3A_570 = arith.subi %add3A_488, %sub3A_569 : i32
          %ge3A = arith.constant 0 : i32
          %ge3A_571 = arith.cmpi sge, %sub3A_570, %ge3A : i32
          %convert_element_type3A_572 = arith.extui %ge3A_571 : i1 to i32
          %cond3A_573 = arith.constant 0 : i32
          %cond3A_574 = arith.cmpi ne, %convert_element_type3A_572, %cond3A_573 : i32
          scf.if %cond3A_574 {
            %dma_wait3A_589 = arith.constant 2 : i32
            %dma_wait3A_590 = arith.constant 2 : i32
            %dma_wait3A_591 = arith.constant 0 : i32
            %dma_wait3A_592 = arith.constant 0 : i32
            %dma_wait3A_593 = tpu.memref_slice %arg10[%dma_wait3A_589, %dma_wait3A_591, %dma_wait3A_592] : memref<8x128x16xf32, #tpu.memory_space<vmem>> -> memref<1x128x16xf32, #tpu.memory_space<vmem>>
            %dma_wait3A_594 = tpu.memref_squeeze %dma_wait3A_593 : memref<1x128x16xf32, #tpu.memory_space<vmem>> -> memref<128x16xf32, #tpu.memory_space<vmem>>
            %dma_wait3A_595 = arith.constant 0 : i32
            %dma_wait3A_596 = tpu.memref_slice %arg9[%add3A_458, %dma_wait3A_595] : memref<56x128xi32, #tpu.memory_space<vmem>> -> memref<1x128xi32, #tpu.memory_space<vmem>>
            %dma_wait3A_597 = tpu.memref_squeeze %dma_wait3A_596 : memref<1x128xi32, #tpu.memory_space<vmem>> -> memref<128xi32, #tpu.memory_space<vmem>>
            %dma_wait3A_598 = arith.constant 0 : i32
            %dma_wait3A_599 = arith.constant 0 : i32
            %dma_wait3A_600 = tpu.memref_slice %arg6[%dma_wait3A_598, %dma_wait3A_599] : memref<50048x16xf32, #tpu.memory_space<vmem_shared>> -> memref<50048x16xf32, #tpu.memory_space<vmem_shared>>
            %dma_wait3A_601 = tpu.memref_slice %arg12[%dma_wait3A_590] : memref<8x!tpu.dma_semaphore, #tpu.memory_space<semaphore_mem>> -> memref<1x!tpu.dma_semaphore, #tpu.memory_space<semaphore_mem>>
            %dma_wait3A_602 = tpu.memref_squeeze %dma_wait3A_601 : memref<1x!tpu.dma_semaphore, #tpu.memory_space<semaphore_mem>> -> memref<!tpu.dma_semaphore, #tpu.memory_space<semaphore_mem>>
            tpu.wait_indirect_dma semaphore(%dma_wait3A_602 : memref<!tpu.dma_semaphore, #tpu.memory_space<semaphore_mem>>) src(%dma_wait3A_594 : memref<128x16xf32, #tpu.memory_space<vmem>>) dst(%dma_wait3A_600 : memref<50048x16xf32, #tpu.memory_space<vmem_shared>>)
          } else {
          }
          %dma_start3A_575 = arith.constant 2 : i32
          %dma_start3A_576 = arith.constant 2 : i32
          %dma_start3A_577 = arith.constant 0 : i32
          %dma_start3A_578 = arith.constant 0 : i32
          %dma_start3A_579 = tpu.memref_slice %arg10[%dma_start3A_575, %dma_start3A_577, %dma_start3A_578] : memref<8x128x16xf32, #tpu.memory_space<vmem>> -> memref<1x128x16xf32, #tpu.memory_space<vmem>>
          %dma_start3A_580 = tpu.memref_squeeze %dma_start3A_579 : memref<1x128x16xf32, #tpu.memory_space<vmem>> -> memref<128x16xf32, #tpu.memory_space<vmem>>
          %dma_start3A_581 = arith.constant 0 : i32
          %dma_start3A_582 = tpu.memref_slice %arg8[%add3A_488, %dma_start3A_581] : memref<56x128xi32, #tpu.memory_space<vmem>> -> memref<1x128xi32, #tpu.memory_space<vmem>>
          %dma_start3A_583 = tpu.memref_squeeze %dma_start3A_582 : memref<1x128xi32, #tpu.memory_space<vmem>> -> memref<128xi32, #tpu.memory_space<vmem>>
          %dma_start3A_584 = arith.constant 0 : i32
          %dma_start3A_585 = arith.constant 0 : i32
          %dma_start3A_586 = tpu.memref_slice %arg7[%dma_start3A_584, %dma_start3A_585] : memref<50048x16xf32, #tpu.memory_space<vmem_shared>> -> memref<50048x16xf32, #tpu.memory_space<vmem_shared>>
          %dma_start3A_587 = tpu.memref_slice %arg11[%dma_start3A_576] : memref<8x!tpu.dma_semaphore, #tpu.memory_space<semaphore_mem>> -> memref<1x!tpu.dma_semaphore, #tpu.memory_space<semaphore_mem>>
          %dma_start3A_588 = tpu.memref_squeeze %dma_start3A_587 : memref<1x!tpu.dma_semaphore, #tpu.memory_space<semaphore_mem>> -> memref<!tpu.dma_semaphore, #tpu.memory_space<semaphore_mem>>
          tpu.enqueue_indirect_dma source(%dma_start3A_586 : memref<50048x16xf32, #tpu.memory_space<vmem_shared>>) target(%dma_start3A_580 : memref<128x16xf32, #tpu.memory_space<vmem>>) offsets(%dma_start3A_583 : memref<128xi32, #tpu.memory_space<vmem>>) semaphore(%dma_start3A_588 : memref<!tpu.dma_semaphore, #tpu.memory_space<semaphore_mem>>)
        } else {
        }
        %add3A_494 = arith.constant 6 : i32
        %add3A_495 = arith.addi %mul3A_271, %add3A_494 : i32
        %dma_wait3A_496 = arith.constant 6 : i32
        %dma_wait3A_497 = arith.constant 6 : i32
        %dma_wait3A_498 = arith.constant 0 : i32
        %dma_wait3A_499 = arith.constant 0 : i32
        %dma_wait3A_500 = tpu.memref_slice %arg10[%dma_wait3A_496, %dma_wait3A_498, %dma_wait3A_499] : memref<8x128x16xf32, #tpu.memory_space<vmem>> -> memref<1x128x16xf32, #tpu.memory_space<vmem>>
        %dma_wait3A_501 = tpu.memref_squeeze %dma_wait3A_500 : memref<1x128x16xf32, #tpu.memory_space<vmem>> -> memref<128x16xf32, #tpu.memory_space<vmem>>
        %dma_wait3A_502 = arith.constant 0 : i32
        %dma_wait3A_503 = tpu.memref_slice %arg8[%add3A_495, %dma_wait3A_502] : memref<56x128xi32, #tpu.memory_space<vmem>> -> memref<1x128xi32, #tpu.memory_space<vmem>>
        %dma_wait3A_504 = tpu.memref_squeeze %dma_wait3A_503 : memref<1x128xi32, #tpu.memory_space<vmem>> -> memref<128xi32, #tpu.memory_space<vmem>>
        %dma_wait3A_505 = arith.constant 0 : i32
        %dma_wait3A_506 = arith.constant 0 : i32
        %dma_wait3A_507 = tpu.memref_slice %arg7[%dma_wait3A_505, %dma_wait3A_506] : memref<50048x16xf32, #tpu.memory_space<vmem_shared>> -> memref<50048x16xf32, #tpu.memory_space<vmem_shared>>
        %dma_wait3A_508 = tpu.memref_slice %arg11[%dma_wait3A_497] : memref<8x!tpu.dma_semaphore, #tpu.memory_space<semaphore_mem>> -> memref<1x!tpu.dma_semaphore, #tpu.memory_space<semaphore_mem>>
        %dma_wait3A_509 = tpu.memref_squeeze %dma_wait3A_508 : memref<1x!tpu.dma_semaphore, #tpu.memory_space<semaphore_mem>> -> memref<!tpu.dma_semaphore, #tpu.memory_space<semaphore_mem>>
        tpu.wait_indirect_dma semaphore(%dma_wait3A_509 : memref<!tpu.dma_semaphore, #tpu.memory_space<semaphore_mem>>) src(%dma_wait3A_507 : memref<50048x16xf32, #tpu.memory_space<vmem_shared>>) dst(%dma_wait3A_501 : memref<128x16xf32, #tpu.memory_space<vmem>>)
        %dma_start3A_510 = arith.constant 6 : i32
        %dma_start3A_511 = arith.constant 6 : i32
        %dma_start3A_512 = arith.constant 0 : i32
        %dma_start3A_513 = arith.constant 0 : i32
        %dma_start3A_514 = tpu.memref_slice %arg10[%dma_start3A_510, %dma_start3A_512, %dma_start3A_513] : memref<8x128x16xf32, #tpu.memory_space<vmem>> -> memref<1x128x16xf32, #tpu.memory_space<vmem>>
        %dma_start3A_515 = tpu.memref_squeeze %dma_start3A_514 : memref<1x128x16xf32, #tpu.memory_space<vmem>> -> memref<128x16xf32, #tpu.memory_space<vmem>>
        %dma_start3A_516 = arith.constant 0 : i32
        %dma_start3A_517 = tpu.memref_slice %arg9[%add3A_495, %dma_start3A_516] : memref<56x128xi32, #tpu.memory_space<vmem>> -> memref<1x128xi32, #tpu.memory_space<vmem>>
        %dma_start3A_518 = tpu.memref_squeeze %dma_start3A_517 : memref<1x128xi32, #tpu.memory_space<vmem>> -> memref<128xi32, #tpu.memory_space<vmem>>
        %dma_start3A_519 = arith.constant 0 : i32
        %dma_start3A_520 = arith.constant 0 : i32
        %dma_start3A_521 = tpu.memref_slice %arg6[%dma_start3A_519, %dma_start3A_520] : memref<50048x16xf32, #tpu.memory_space<vmem_shared>> -> memref<50048x16xf32, #tpu.memory_space<vmem_shared>>
        %dma_start3A_522 = tpu.memref_slice %arg12[%dma_start3A_511] : memref<8x!tpu.dma_semaphore, #tpu.memory_space<semaphore_mem>> -> memref<1x!tpu.dma_semaphore, #tpu.memory_space<semaphore_mem>>
        %dma_start3A_523 = tpu.memref_squeeze %dma_start3A_522 : memref<1x!tpu.dma_semaphore, #tpu.memory_space<semaphore_mem>> -> memref<!tpu.dma_semaphore, #tpu.memory_space<semaphore_mem>>
        tpu.enqueue_indirect_dma source(%dma_start3A_515 : memref<128x16xf32, #tpu.memory_space<vmem>>) target(%dma_start3A_521 : memref<50048x16xf32, #tpu.memory_space<vmem_shared>>) offsets(%dma_start3A_518 : memref<128xi32, #tpu.memory_space<vmem>>) semaphore(%dma_start3A_523 : memref<!tpu.dma_semaphore, #tpu.memory_space<semaphore_mem>>) {add = true}
        %add3A_524 = arith.constant 5 : i32
        %add3A_525 = arith.addi %add3A_495, %add3A_524 : i32
        %lt3A_526 = arith.constant 56 : i32
        %lt3A_527 = arith.cmpi slt, %add3A_525, %lt3A_526 : i32
        %convert_element_type3A_528 = arith.extui %lt3A_527 : i1 to i32
        %cond3A_529 = arith.constant 0 : i32
        %cond3A_530 = arith.cmpi ne, %convert_element_type3A_528, %cond3A_529 : i32
        scf.if %cond3A_530 {
          %sub3A_569 = arith.constant 8 : i32
          %sub3A_570 = arith.subi %add3A_525, %sub3A_569 : i32
          %ge3A = arith.constant 0 : i32
          %ge3A_571 = arith.cmpi sge, %sub3A_570, %ge3A : i32
          %convert_element_type3A_572 = arith.extui %ge3A_571 : i1 to i32
          %cond3A_573 = arith.constant 0 : i32
          %cond3A_574 = arith.cmpi ne, %convert_element_type3A_572, %cond3A_573 : i32
          scf.if %cond3A_574 {
            %dma_wait3A_589 = arith.constant 3 : i32
            %dma_wait3A_590 = arith.constant 3 : i32
            %dma_wait3A_591 = arith.constant 0 : i32
            %dma_wait3A_592 = arith.constant 0 : i32
            %dma_wait3A_593 = tpu.memref_slice %arg10[%dma_wait3A_589, %dma_wait3A_591, %dma_wait3A_592] : memref<8x128x16xf32, #tpu.memory_space<vmem>> -> memref<1x128x16xf32, #tpu.memory_space<vmem>>
            %dma_wait3A_594 = tpu.memref_squeeze %dma_wait3A_593 : memref<1x128x16xf32, #tpu.memory_space<vmem>> -> memref<128x16xf32, #tpu.memory_space<vmem>>
            %dma_wait3A_595 = arith.constant 0 : i32
            %dma_wait3A_596 = tpu.memref_slice %arg9[%add3A_495, %dma_wait3A_595] : memref<56x128xi32, #tpu.memory_space<vmem>> -> memref<1x128xi32, #tpu.memory_space<vmem>>
            %dma_wait3A_597 = tpu.memref_squeeze %dma_wait3A_596 : memref<1x128xi32, #tpu.memory_space<vmem>> -> memref<128xi32, #tpu.memory_space<vmem>>
            %dma_wait3A_598 = arith.constant 0 : i32
            %dma_wait3A_599 = arith.constant 0 : i32
            %dma_wait3A_600 = tpu.memref_slice %arg6[%dma_wait3A_598, %dma_wait3A_599] : memref<50048x16xf32, #tpu.memory_space<vmem_shared>> -> memref<50048x16xf32, #tpu.memory_space<vmem_shared>>
            %dma_wait3A_601 = tpu.memref_slice %arg12[%dma_wait3A_590] : memref<8x!tpu.dma_semaphore, #tpu.memory_space<semaphore_mem>> -> memref<1x!tpu.dma_semaphore, #tpu.memory_space<semaphore_mem>>
            %dma_wait3A_602 = tpu.memref_squeeze %dma_wait3A_601 : memref<1x!tpu.dma_semaphore, #tpu.memory_space<semaphore_mem>> -> memref<!tpu.dma_semaphore, #tpu.memory_space<semaphore_mem>>
            tpu.wait_indirect_dma semaphore(%dma_wait3A_602 : memref<!tpu.dma_semaphore, #tpu.memory_space<semaphore_mem>>) src(%dma_wait3A_594 : memref<128x16xf32, #tpu.memory_space<vmem>>) dst(%dma_wait3A_600 : memref<50048x16xf32, #tpu.memory_space<vmem_shared>>)
          } else {
          }
          %dma_start3A_575 = arith.constant 3 : i32
          %dma_start3A_576 = arith.constant 3 : i32
          %dma_start3A_577 = arith.constant 0 : i32
          %dma_start3A_578 = arith.constant 0 : i32
          %dma_start3A_579 = tpu.memref_slice %arg10[%dma_start3A_575, %dma_start3A_577, %dma_start3A_578] : memref<8x128x16xf32, #tpu.memory_space<vmem>> -> memref<1x128x16xf32, #tpu.memory_space<vmem>>
          %dma_start3A_580 = tpu.memref_squeeze %dma_start3A_579 : memref<1x128x16xf32, #tpu.memory_space<vmem>> -> memref<128x16xf32, #tpu.memory_space<vmem>>
          %dma_start3A_581 = arith.constant 0 : i32
          %dma_start3A_582 = tpu.memref_slice %arg8[%add3A_525, %dma_start3A_581] : memref<56x128xi32, #tpu.memory_space<vmem>> -> memref<1x128xi32, #tpu.memory_space<vmem>>
          %dma_start3A_583 = tpu.memref_squeeze %dma_start3A_582 : memref<1x128xi32, #tpu.memory_space<vmem>> -> memref<128xi32, #tpu.memory_space<vmem>>
          %dma_start3A_584 = arith.constant 0 : i32
          %dma_start3A_585 = arith.constant 0 : i32
          %dma_start3A_586 = tpu.memref_slice %arg7[%dma_start3A_584, %dma_start3A_585] : memref<50048x16xf32, #tpu.memory_space<vmem_shared>> -> memref<50048x16xf32, #tpu.memory_space<vmem_shared>>
          %dma_start3A_587 = tpu.memref_slice %arg11[%dma_start3A_576] : memref<8x!tpu.dma_semaphore, #tpu.memory_space<semaphore_mem>> -> memref<1x!tpu.dma_semaphore, #tpu.memory_space<semaphore_mem>>
          %dma_start3A_588 = tpu.memref_squeeze %dma_start3A_587 : memref<1x!tpu.dma_semaphore, #tpu.memory_space<semaphore_mem>> -> memref<!tpu.dma_semaphore, #tpu.memory_space<semaphore_mem>>
          tpu.enqueue_indirect_dma source(%dma_start3A_586 : memref<50048x16xf32, #tpu.memory_space<vmem_shared>>) target(%dma_start3A_580 : memref<128x16xf32, #tpu.memory_space<vmem>>) offsets(%dma_start3A_583 : memref<128xi32, #tpu.memory_space<vmem>>) semaphore(%dma_start3A_588 : memref<!tpu.dma_semaphore, #tpu.memory_space<semaphore_mem>>)
        } else {
        }
        %add3A_531 = arith.constant 7 : i32
        %add3A_532 = arith.addi %mul3A_271, %add3A_531 : i32
        %dma_wait3A_533 = arith.constant 7 : i32
        %dma_wait3A_534 = arith.constant 7 : i32
        %dma_wait3A_535 = arith.constant 0 : i32
        %dma_wait3A_536 = arith.constant 0 : i32
        %dma_wait3A_537 = tpu.memref_slice %arg10[%dma_wait3A_533, %dma_wait3A_535, %dma_wait3A_536] : memref<8x128x16xf32, #tpu.memory_space<vmem>> -> memref<1x128x16xf32, #tpu.memory_space<vmem>>
        %dma_wait3A_538 = tpu.memref_squeeze %dma_wait3A_537 : memref<1x128x16xf32, #tpu.memory_space<vmem>> -> memref<128x16xf32, #tpu.memory_space<vmem>>
        %dma_wait3A_539 = arith.constant 0 : i32
        %dma_wait3A_540 = tpu.memref_slice %arg8[%add3A_532, %dma_wait3A_539] : memref<56x128xi32, #tpu.memory_space<vmem>> -> memref<1x128xi32, #tpu.memory_space<vmem>>
        %dma_wait3A_541 = tpu.memref_squeeze %dma_wait3A_540 : memref<1x128xi32, #tpu.memory_space<vmem>> -> memref<128xi32, #tpu.memory_space<vmem>>
        %dma_wait3A_542 = arith.constant 0 : i32
        %dma_wait3A_543 = arith.constant 0 : i32
        %dma_wait3A_544 = tpu.memref_slice %arg7[%dma_wait3A_542, %dma_wait3A_543] : memref<50048x16xf32, #tpu.memory_space<vmem_shared>> -> memref<50048x16xf32, #tpu.memory_space<vmem_shared>>
        %dma_wait3A_545 = tpu.memref_slice %arg11[%dma_wait3A_534] : memref<8x!tpu.dma_semaphore, #tpu.memory_space<semaphore_mem>> -> memref<1x!tpu.dma_semaphore, #tpu.memory_space<semaphore_mem>>
        %dma_wait3A_546 = tpu.memref_squeeze %dma_wait3A_545 : memref<1x!tpu.dma_semaphore, #tpu.memory_space<semaphore_mem>> -> memref<!tpu.dma_semaphore, #tpu.memory_space<semaphore_mem>>
        tpu.wait_indirect_dma semaphore(%dma_wait3A_546 : memref<!tpu.dma_semaphore, #tpu.memory_space<semaphore_mem>>) src(%dma_wait3A_544 : memref<50048x16xf32, #tpu.memory_space<vmem_shared>>) dst(%dma_wait3A_538 : memref<128x16xf32, #tpu.memory_space<vmem>>)
        %dma_start3A_547 = arith.constant 7 : i32
        %dma_start3A_548 = arith.constant 7 : i32
        %dma_start3A_549 = arith.constant 0 : i32
        %dma_start3A_550 = arith.constant 0 : i32
        %dma_start3A_551 = tpu.memref_slice %arg10[%dma_start3A_547, %dma_start3A_549, %dma_start3A_550] : memref<8x128x16xf32, #tpu.memory_space<vmem>> -> memref<1x128x16xf32, #tpu.memory_space<vmem>>
        %dma_start3A_552 = tpu.memref_squeeze %dma_start3A_551 : memref<1x128x16xf32, #tpu.memory_space<vmem>> -> memref<128x16xf32, #tpu.memory_space<vmem>>
        %dma_start3A_553 = arith.constant 0 : i32
        %dma_start3A_554 = tpu.memref_slice %arg9[%add3A_532, %dma_start3A_553] : memref<56x128xi32, #tpu.memory_space<vmem>> -> memref<1x128xi32, #tpu.memory_space<vmem>>
        %dma_start3A_555 = tpu.memref_squeeze %dma_start3A_554 : memref<1x128xi32, #tpu.memory_space<vmem>> -> memref<128xi32, #tpu.memory_space<vmem>>
        %dma_start3A_556 = arith.constant 0 : i32
        %dma_start3A_557 = arith.constant 0 : i32
        %dma_start3A_558 = tpu.memref_slice %arg6[%dma_start3A_556, %dma_start3A_557] : memref<50048x16xf32, #tpu.memory_space<vmem_shared>> -> memref<50048x16xf32, #tpu.memory_space<vmem_shared>>
        %dma_start3A_559 = tpu.memref_slice %arg12[%dma_start3A_548] : memref<8x!tpu.dma_semaphore, #tpu.memory_space<semaphore_mem>> -> memref<1x!tpu.dma_semaphore, #tpu.memory_space<semaphore_mem>>
        %dma_start3A_560 = tpu.memref_squeeze %dma_start3A_559 : memref<1x!tpu.dma_semaphore, #tpu.memory_space<semaphore_mem>> -> memref<!tpu.dma_semaphore, #tpu.memory_space<semaphore_mem>>
        tpu.enqueue_indirect_dma source(%dma_start3A_552 : memref<128x16xf32, #tpu.memory_space<vmem>>) target(%dma_start3A_558 : memref<50048x16xf32, #tpu.memory_space<vmem_shared>>) offsets(%dma_start3A_555 : memref<128xi32, #tpu.memory_space<vmem>>) semaphore(%dma_start3A_560 : memref<!tpu.dma_semaphore, #tpu.memory_space<semaphore_mem>>) {add = true}
        %add3A_561 = arith.constant 5 : i32
        %add3A_562 = arith.addi %add3A_532, %add3A_561 : i32
        %lt3A_563 = arith.constant 56 : i32
        %lt3A_564 = arith.cmpi slt, %add3A_562, %lt3A_563 : i32
        %convert_element_type3A_565 = arith.extui %lt3A_564 : i1 to i32
        %cond3A_566 = arith.constant 0 : i32
        %cond3A_567 = arith.cmpi ne, %convert_element_type3A_565, %cond3A_566 : i32
        scf.if %cond3A_567 {
          %sub3A_569 = arith.constant 8 : i32
          %sub3A_570 = arith.subi %add3A_562, %sub3A_569 : i32
          %ge3A = arith.constant 0 : i32
          %ge3A_571 = arith.cmpi sge, %sub3A_570, %ge3A : i32
          %convert_element_type3A_572 = arith.extui %ge3A_571 : i1 to i32
          %cond3A_573 = arith.constant 0 : i32
          %cond3A_574 = arith.cmpi ne, %convert_element_type3A_572, %cond3A_573 : i32
          scf.if %cond3A_574 {
            %dma_wait3A_589 = arith.constant 4 : i32
            %dma_wait3A_590 = arith.constant 4 : i32
            %dma_wait3A_591 = arith.constant 0 : i32
            %dma_wait3A_592 = arith.constant 0 : i32
            %dma_wait3A_593 = tpu.memref_slice %arg10[%dma_wait3A_589, %dma_wait3A_591, %dma_wait3A_592] : memref<8x128x16xf32, #tpu.memory_space<vmem>> -> memref<1x128x16xf32, #tpu.memory_space<vmem>>
            %dma_wait3A_594 = tpu.memref_squeeze %dma_wait3A_593 : memref<1x128x16xf32, #tpu.memory_space<vmem>> -> memref<128x16xf32, #tpu.memory_space<vmem>>
            %dma_wait3A_595 = arith.constant 0 : i32
            %dma_wait3A_596 = tpu.memref_slice %arg9[%add3A_532, %dma_wait3A_595] : memref<56x128xi32, #tpu.memory_space<vmem>> -> memref<1x128xi32, #tpu.memory_space<vmem>>
            %dma_wait3A_597 = tpu.memref_squeeze %dma_wait3A_596 : memref<1x128xi32, #tpu.memory_space<vmem>> -> memref<128xi32, #tpu.memory_space<vmem>>
            %dma_wait3A_598 = arith.constant 0 : i32
            %dma_wait3A_599 = arith.constant 0 : i32
            %dma_wait3A_600 = tpu.memref_slice %arg6[%dma_wait3A_598, %dma_wait3A_599] : memref<50048x16xf32, #tpu.memory_space<vmem_shared>> -> memref<50048x16xf32, #tpu.memory_space<vmem_shared>>
            %dma_wait3A_601 = tpu.memref_slice %arg12[%dma_wait3A_590] : memref<8x!tpu.dma_semaphore, #tpu.memory_space<semaphore_mem>> -> memref<1x!tpu.dma_semaphore, #tpu.memory_space<semaphore_mem>>
            %dma_wait3A_602 = tpu.memref_squeeze %dma_wait3A_601 : memref<1x!tpu.dma_semaphore, #tpu.memory_space<semaphore_mem>> -> memref<!tpu.dma_semaphore, #tpu.memory_space<semaphore_mem>>
            tpu.wait_indirect_dma semaphore(%dma_wait3A_602 : memref<!tpu.dma_semaphore, #tpu.memory_space<semaphore_mem>>) src(%dma_wait3A_594 : memref<128x16xf32, #tpu.memory_space<vmem>>) dst(%dma_wait3A_600 : memref<50048x16xf32, #tpu.memory_space<vmem_shared>>)
          } else {
          }
          %dma_start3A_575 = arith.constant 4 : i32
          %dma_start3A_576 = arith.constant 4 : i32
          %dma_start3A_577 = arith.constant 0 : i32
          %dma_start3A_578 = arith.constant 0 : i32
          %dma_start3A_579 = tpu.memref_slice %arg10[%dma_start3A_575, %dma_start3A_577, %dma_start3A_578] : memref<8x128x16xf32, #tpu.memory_space<vmem>> -> memref<1x128x16xf32, #tpu.memory_space<vmem>>
          %dma_start3A_580 = tpu.memref_squeeze %dma_start3A_579 : memref<1x128x16xf32, #tpu.memory_space<vmem>> -> memref<128x16xf32, #tpu.memory_space<vmem>>
          %dma_start3A_581 = arith.constant 0 : i32
          %dma_start3A_582 = tpu.memref_slice %arg8[%add3A_562, %dma_start3A_581] : memref<56x128xi32, #tpu.memory_space<vmem>> -> memref<1x128xi32, #tpu.memory_space<vmem>>
          %dma_start3A_583 = tpu.memref_squeeze %dma_start3A_582 : memref<1x128xi32, #tpu.memory_space<vmem>> -> memref<128xi32, #tpu.memory_space<vmem>>
          %dma_start3A_584 = arith.constant 0 : i32
          %dma_start3A_585 = arith.constant 0 : i32
          %dma_start3A_586 = tpu.memref_slice %arg7[%dma_start3A_584, %dma_start3A_585] : memref<50048x16xf32, #tpu.memory_space<vmem_shared>> -> memref<50048x16xf32, #tpu.memory_space<vmem_shared>>
          %dma_start3A_587 = tpu.memref_slice %arg11[%dma_start3A_576] : memref<8x!tpu.dma_semaphore, #tpu.memory_space<semaphore_mem>> -> memref<1x!tpu.dma_semaphore, #tpu.memory_space<semaphore_mem>>
          %dma_start3A_588 = tpu.memref_squeeze %dma_start3A_587 : memref<1x!tpu.dma_semaphore, #tpu.memory_space<semaphore_mem>> -> memref<!tpu.dma_semaphore, #tpu.memory_space<semaphore_mem>>
          tpu.enqueue_indirect_dma source(%dma_start3A_586 : memref<50048x16xf32, #tpu.memory_space<vmem_shared>>) target(%dma_start3A_580 : memref<128x16xf32, #tpu.memory_space<vmem>>) offsets(%dma_start3A_583 : memref<128xi32, #tpu.memory_space<vmem>>) semaphore(%dma_start3A_588 : memref<!tpu.dma_semaphore, #tpu.memory_space<semaphore_mem>>)
        } else {
        }
        %scan3A_568 = arith.constant 0 : i32
        scf.yield %scan3A_568 : i32
      }
      %scan3A_147 = arith.constant 7 : i32
      %dma_wait3A = arith.constant 0 : i32
      %dma_wait3A_148 = arith.constant 0 : i32
      %dma_wait3A_149 = arith.constant 0 : i32
      %dma_wait3A_150 = arith.constant 0 : i32
      %dma_wait3A_151 = arith.constant 0 : i32
      %dma_wait3A_152 = tpu.memref_slice %arg10[%dma_wait3A, %dma_wait3A_150, %dma_wait3A_151] : memref<8x128x16xf32, #tpu.memory_space<vmem>> -> memref<1x128x16xf32, #tpu.memory_space<vmem>>
      %dma_wait3A_153 = tpu.memref_squeeze %dma_wait3A_152 : memref<1x128x16xf32, #tpu.memory_space<vmem>> -> memref<128x16xf32, #tpu.memory_space<vmem>>
      %dma_wait3A_154 = arith.constant 0 : i32
      %dma_wait3A_155 = tpu.memref_slice %arg9[%dma_wait3A_148, %dma_wait3A_154] : memref<56x128xi32, #tpu.memory_space<vmem>> -> memref<1x128xi32, #tpu.memory_space<vmem>>
      %dma_wait3A_156 = tpu.memref_squeeze %dma_wait3A_155 : memref<1x128xi32, #tpu.memory_space<vmem>> -> memref<128xi32, #tpu.memory_space<vmem>>
      %dma_wait3A_157 = arith.constant 0 : i32
      %dma_wait3A_158 = arith.constant 0 : i32
      %dma_wait3A_159 = tpu.memref_slice %arg6[%dma_wait3A_157, %dma_wait3A_158] : memref<50048x16xf32, #tpu.memory_space<vmem_shared>> -> memref<50048x16xf32, #tpu.memory_space<vmem_shared>>
      %dma_wait3A_160 = tpu.memref_slice %arg12[%dma_wait3A_149] : memref<8x!tpu.dma_semaphore, #tpu.memory_space<semaphore_mem>> -> memref<1x!tpu.dma_semaphore, #tpu.memory_space<semaphore_mem>>
      %dma_wait3A_161 = tpu.memref_squeeze %dma_wait3A_160 : memref<1x!tpu.dma_semaphore, #tpu.memory_space<semaphore_mem>> -> memref<!tpu.dma_semaphore, #tpu.memory_space<semaphore_mem>>
      tpu.wait_indirect_dma semaphore(%dma_wait3A_161 : memref<!tpu.dma_semaphore, #tpu.memory_space<semaphore_mem>>) src(%dma_wait3A_153 : memref<128x16xf32, #tpu.memory_space<vmem>>) dst(%dma_wait3A_159 : memref<50048x16xf32, #tpu.memory_space<vmem_shared>>)
      %dma_wait3A_162 = arith.constant 1 : i32
      %dma_wait3A_163 = arith.constant 0 : i32
      %dma_wait3A_164 = arith.constant 1 : i32
      %dma_wait3A_165 = arith.constant 0 : i32
      %dma_wait3A_166 = arith.constant 0 : i32
      %dma_wait3A_167 = tpu.memref_slice %arg10[%dma_wait3A_162, %dma_wait3A_165, %dma_wait3A_166] : memref<8x128x16xf32, #tpu.memory_space<vmem>> -> memref<1x128x16xf32, #tpu.memory_space<vmem>>
      %dma_wait3A_168 = tpu.memref_squeeze %dma_wait3A_167 : memref<1x128x16xf32, #tpu.memory_space<vmem>> -> memref<128x16xf32, #tpu.memory_space<vmem>>
      %dma_wait3A_169 = arith.constant 0 : i32
      %dma_wait3A_170 = tpu.memref_slice %arg9[%dma_wait3A_163, %dma_wait3A_169] : memref<56x128xi32, #tpu.memory_space<vmem>> -> memref<1x128xi32, #tpu.memory_space<vmem>>
      %dma_wait3A_171 = tpu.memref_squeeze %dma_wait3A_170 : memref<1x128xi32, #tpu.memory_space<vmem>> -> memref<128xi32, #tpu.memory_space<vmem>>
      %dma_wait3A_172 = arith.constant 0 : i32
      %dma_wait3A_173 = arith.constant 0 : i32
      %dma_wait3A_174 = tpu.memref_slice %arg6[%dma_wait3A_172, %dma_wait3A_173] : memref<50048x16xf32, #tpu.memory_space<vmem_shared>> -> memref<50048x16xf32, #tpu.memory_space<vmem_shared>>
      %dma_wait3A_175 = tpu.memref_slice %arg12[%dma_wait3A_164] : memref<8x!tpu.dma_semaphore, #tpu.memory_space<semaphore_mem>> -> memref<1x!tpu.dma_semaphore, #tpu.memory_space<semaphore_mem>>
      %dma_wait3A_176 = tpu.memref_squeeze %dma_wait3A_175 : memref<1x!tpu.dma_semaphore, #tpu.memory_space<semaphore_mem>> -> memref<!tpu.dma_semaphore, #tpu.memory_space<semaphore_mem>>
      tpu.wait_indirect_dma semaphore(%dma_wait3A_176 : memref<!tpu.dma_semaphore, #tpu.memory_space<semaphore_mem>>) src(%dma_wait3A_168 : memref<128x16xf32, #tpu.memory_space<vmem>>) dst(%dma_wait3A_174 : memref<50048x16xf32, #tpu.memory_space<vmem_shared>>)
      %dma_wait3A_177 = arith.constant 2 : i32
      %dma_wait3A_178 = arith.constant 0 : i32
      %dma_wait3A_179 = arith.constant 2 : i32
      %dma_wait3A_180 = arith.constant 0 : i32
      %dma_wait3A_181 = arith.constant 0 : i32
      %dma_wait3A_182 = tpu.memref_slice %arg10[%dma_wait3A_177, %dma_wait3A_180, %dma_wait3A_181] : memref<8x128x16xf32, #tpu.memory_space<vmem>> -> memref<1x128x16xf32, #tpu.memory_space<vmem>>
      %dma_wait3A_183 = tpu.memref_squeeze %dma_wait3A_182 : memref<1x128x16xf32, #tpu.memory_space<vmem>> -> memref<128x16xf32, #tpu.memory_space<vmem>>
      %dma_wait3A_184 = arith.constant 0 : i32
      %dma_wait3A_185 = tpu.memref_slice %arg9[%dma_wait3A_178, %dma_wait3A_184] : memref<56x128xi32, #tpu.memory_space<vmem>> -> memref<1x128xi32, #tpu.memory_space<vmem>>
      %dma_wait3A_186 = tpu.memref_squeeze %dma_wait3A_185 : memref<1x128xi32, #tpu.memory_space<vmem>> -> memref<128xi32, #tpu.memory_space<vmem>>
      %dma_wait3A_187 = arith.constant 0 : i32
      %dma_wait3A_188 = arith.constant 0 : i32
      %dma_wait3A_189 = tpu.memref_slice %arg6[%dma_wait3A_187, %dma_wait3A_188] : memref<50048x16xf32, #tpu.memory_space<vmem_shared>> -> memref<50048x16xf32, #tpu.memory_space<vmem_shared>>
      %dma_wait3A_190 = tpu.memref_slice %arg12[%dma_wait3A_179] : memref<8x!tpu.dma_semaphore, #tpu.memory_space<semaphore_mem>> -> memref<1x!tpu.dma_semaphore, #tpu.memory_space<semaphore_mem>>
      %dma_wait3A_191 = tpu.memref_squeeze %dma_wait3A_190 : memref<1x!tpu.dma_semaphore, #tpu.memory_space<semaphore_mem>> -> memref<!tpu.dma_semaphore, #tpu.memory_space<semaphore_mem>>
      tpu.wait_indirect_dma semaphore(%dma_wait3A_191 : memref<!tpu.dma_semaphore, #tpu.memory_space<semaphore_mem>>) src(%dma_wait3A_183 : memref<128x16xf32, #tpu.memory_space<vmem>>) dst(%dma_wait3A_189 : memref<50048x16xf32, #tpu.memory_space<vmem_shared>>)
      %dma_wait3A_192 = arith.constant 3 : i32
      %dma_wait3A_193 = arith.constant 0 : i32
      %dma_wait3A_194 = arith.constant 3 : i32
      %dma_wait3A_195 = arith.constant 0 : i32
      %dma_wait3A_196 = arith.constant 0 : i32
      %dma_wait3A_197 = tpu.memref_slice %arg10[%dma_wait3A_192, %dma_wait3A_195, %dma_wait3A_196] : memref<8x128x16xf32, #tpu.memory_space<vmem>> -> memref<1x128x16xf32, #tpu.memory_space<vmem>>
      %dma_wait3A_198 = tpu.memref_squeeze %dma_wait3A_197 : memref<1x128x16xf32, #tpu.memory_space<vmem>> -> memref<128x16xf32, #tpu.memory_space<vmem>>
      %dma_wait3A_199 = arith.constant 0 : i32
      %dma_wait3A_200 = tpu.memref_slice %arg9[%dma_wait3A_193, %dma_wait3A_199] : memref<56x128xi32, #tpu.memory_space<vmem>> -> memref<1x128xi32, #tpu.memory_space<vmem>>
      %dma_wait3A_201 = tpu.memref_squeeze %dma_wait3A_200 : memref<1x128xi32, #tpu.memory_space<vmem>> -> memref<128xi32, #tpu.memory_space<vmem>>
      %dma_wait3A_202 = arith.constant 0 : i32
      %dma_wait3A_203 = arith.constant 0 : i32
      %dma_wait3A_204 = tpu.memref_slice %arg6[%dma_wait3A_202, %dma_wait3A_203] : memref<50048x16xf32, #tpu.memory_space<vmem_shared>> -> memref<50048x16xf32, #tpu.memory_space<vmem_shared>>
      %dma_wait3A_205 = tpu.memref_slice %arg12[%dma_wait3A_194] : memref<8x!tpu.dma_semaphore, #tpu.memory_space<semaphore_mem>> -> memref<1x!tpu.dma_semaphore, #tpu.memory_space<semaphore_mem>>
      %dma_wait3A_206 = tpu.memref_squeeze %dma_wait3A_205 : memref<1x!tpu.dma_semaphore, #tpu.memory_space<semaphore_mem>> -> memref<!tpu.dma_semaphore, #tpu.memory_space<semaphore_mem>>
      tpu.wait_indirect_dma semaphore(%dma_wait3A_206 : memref<!tpu.dma_semaphore, #tpu.memory_space<semaphore_mem>>) src(%dma_wait3A_198 : memref<128x16xf32, #tpu.memory_space<vmem>>) dst(%dma_wait3A_204 : memref<50048x16xf32, #tpu.memory_space<vmem_shared>>)
      %dma_wait3A_207 = arith.constant 4 : i32
      %dma_wait3A_208 = arith.constant 0 : i32
      %dma_wait3A_209 = arith.constant 4 : i32
      %dma_wait3A_210 = arith.constant 0 : i32
      %dma_wait3A_211 = arith.constant 0 : i32
      %dma_wait3A_212 = tpu.memref_slice %arg10[%dma_wait3A_207, %dma_wait3A_210, %dma_wait3A_211] : memref<8x128x16xf32, #tpu.memory_space<vmem>> -> memref<1x128x16xf32, #tpu.memory_space<vmem>>
      %dma_wait3A_213 = tpu.memref_squeeze %dma_wait3A_212 : memref<1x128x16xf32, #tpu.memory_space<vmem>> -> memref<128x16xf32, #tpu.memory_space<vmem>>
      %dma_wait3A_214 = arith.constant 0 : i32
      %dma_wait3A_215 = tpu.memref_slice %arg9[%dma_wait3A_208, %dma_wait3A_214] : memref<56x128xi32, #tpu.memory_space<vmem>> -> memref<1x128xi32, #tpu.memory_space<vmem>>
      %dma_wait3A_216 = tpu.memref_squeeze %dma_wait3A_215 : memref<1x128xi32, #tpu.memory_space<vmem>> -> memref<128xi32, #tpu.memory_space<vmem>>
      %dma_wait3A_217 = arith.constant 0 : i32
      %dma_wait3A_218 = arith.constant 0 : i32
      %dma_wait3A_219 = tpu.memref_slice %arg6[%dma_wait3A_217, %dma_wait3A_218] : memref<50048x16xf32, #tpu.memory_space<vmem_shared>> -> memref<50048x16xf32, #tpu.memory_space<vmem_shared>>
      %dma_wait3A_220 = tpu.memref_slice %arg12[%dma_wait3A_209] : memref<8x!tpu.dma_semaphore, #tpu.memory_space<semaphore_mem>> -> memref<1x!tpu.dma_semaphore, #tpu.memory_space<semaphore_mem>>
      %dma_wait3A_221 = tpu.memref_squeeze %dma_wait3A_220 : memref<1x!tpu.dma_semaphore, #tpu.memory_space<semaphore_mem>> -> memref<!tpu.dma_semaphore, #tpu.memory_space<semaphore_mem>>
      tpu.wait_indirect_dma semaphore(%dma_wait3A_221 : memref<!tpu.dma_semaphore, #tpu.memory_space<semaphore_mem>>) src(%dma_wait3A_213 : memref<128x16xf32, #tpu.memory_space<vmem>>) dst(%dma_wait3A_219 : memref<50048x16xf32, #tpu.memory_space<vmem_shared>>)
      %dma_wait3A_222 = arith.constant 5 : i32
      %dma_wait3A_223 = arith.constant 0 : i32
      %dma_wait3A_224 = arith.constant 5 : i32
      %dma_wait3A_225 = arith.constant 0 : i32
      %dma_wait3A_226 = arith.constant 0 : i32
      %dma_wait3A_227 = tpu.memref_slice %arg10[%dma_wait3A_222, %dma_wait3A_225, %dma_wait3A_226] : memref<8x128x16xf32, #tpu.memory_space<vmem>> -> memref<1x128x16xf32, #tpu.memory_space<vmem>>
      %dma_wait3A_228 = tpu.memref_squeeze %dma_wait3A_227 : memref<1x128x16xf32, #tpu.memory_space<vmem>> -> memref<128x16xf32, #tpu.memory_space<vmem>>
      %dma_wait3A_229 = arith.constant 0 : i32
      %dma_wait3A_230 = tpu.memref_slice %arg9[%dma_wait3A_223, %dma_wait3A_229] : memref<56x128xi32, #tpu.memory_space<vmem>> -> memref<1x128xi32, #tpu.memory_space<vmem>>
      %dma_wait3A_231 = tpu.memref_squeeze %dma_wait3A_230 : memref<1x128xi32, #tpu.memory_space<vmem>> -> memref<128xi32, #tpu.memory_space<vmem>>
      %dma_wait3A_232 = arith.constant 0 : i32
      %dma_wait3A_233 = arith.constant 0 : i32
      %dma_wait3A_234 = tpu.memref_slice %arg6[%dma_wait3A_232, %dma_wait3A_233] : memref<50048x16xf32, #tpu.memory_space<vmem_shared>> -> memref<50048x16xf32, #tpu.memory_space<vmem_shared>>
      %dma_wait3A_235 = tpu.memref_slice %arg12[%dma_wait3A_224] : memref<8x!tpu.dma_semaphore, #tpu.memory_space<semaphore_mem>> -> memref<1x!tpu.dma_semaphore, #tpu.memory_space<semaphore_mem>>
      %dma_wait3A_236 = tpu.memref_squeeze %dma_wait3A_235 : memref<1x!tpu.dma_semaphore, #tpu.memory_space<semaphore_mem>> -> memref<!tpu.dma_semaphore, #tpu.memory_space<semaphore_mem>>
      tpu.wait_indirect_dma semaphore(%dma_wait3A_236 : memref<!tpu.dma_semaphore, #tpu.memory_space<semaphore_mem>>) src(%dma_wait3A_228 : memref<128x16xf32, #tpu.memory_space<vmem>>) dst(%dma_wait3A_234 : memref<50048x16xf32, #tpu.memory_space<vmem_shared>>)
      %dma_wait3A_237 = arith.constant 6 : i32
      %dma_wait3A_238 = arith.constant 0 : i32
      %dma_wait3A_239 = arith.constant 6 : i32
      %dma_wait3A_240 = arith.constant 0 : i32
      %dma_wait3A_241 = arith.constant 0 : i32
      %dma_wait3A_242 = tpu.memref_slice %arg10[%dma_wait3A_237, %dma_wait3A_240, %dma_wait3A_241] : memref<8x128x16xf32, #tpu.memory_space<vmem>> -> memref<1x128x16xf32, #tpu.memory_space<vmem>>
      %dma_wait3A_243 = tpu.memref_squeeze %dma_wait3A_242 : memref<1x128x16xf32, #tpu.memory_space<vmem>> -> memref<128x16xf32, #tpu.memory_space<vmem>>
      %dma_wait3A_244 = arith.constant 0 : i32
      %dma_wait3A_245 = tpu.memref_slice %arg9[%dma_wait3A_238, %dma_wait3A_244] : memref<56x128xi32, #tpu.memory_space<vmem>> -> memref<1x128xi32, #tpu.memory_space<vmem>>
      %dma_wait3A_246 = tpu.memref_squeeze %dma_wait3A_245 : memref<1x128xi32, #tpu.memory_space<vmem>> -> memref<128xi32, #tpu.memory_space<vmem>>
      %dma_wait3A_247 = arith.constant 0 : i32
      %dma_wait3A_248 = arith.constant 0 : i32
      %dma_wait3A_249 = tpu.memref_slice %arg6[%dma_wait3A_247, %dma_wait3A_248] : memref<50048x16xf32, #tpu.memory_space<vmem_shared>> -> memref<50048x16xf32, #tpu.memory_space<vmem_shared>>
      %dma_wait3A_250 = tpu.memref_slice %arg12[%dma_wait3A_239] : memref<8x!tpu.dma_semaphore, #tpu.memory_space<semaphore_mem>> -> memref<1x!tpu.dma_semaphore, #tpu.memory_space<semaphore_mem>>
      %dma_wait3A_251 = tpu.memref_squeeze %dma_wait3A_250 : memref<1x!tpu.dma_semaphore, #tpu.memory_space<semaphore_mem>> -> memref<!tpu.dma_semaphore, #tpu.memory_space<semaphore_mem>>
      tpu.wait_indirect_dma semaphore(%dma_wait3A_251 : memref<!tpu.dma_semaphore, #tpu.memory_space<semaphore_mem>>) src(%dma_wait3A_243 : memref<128x16xf32, #tpu.memory_space<vmem>>) dst(%dma_wait3A_249 : memref<50048x16xf32, #tpu.memory_space<vmem_shared>>)
      %dma_wait3A_252 = arith.constant 7 : i32
      %dma_wait3A_253 = arith.constant 0 : i32
      %dma_wait3A_254 = arith.constant 7 : i32
      %dma_wait3A_255 = arith.constant 0 : i32
      %dma_wait3A_256 = arith.constant 0 : i32
      %dma_wait3A_257 = tpu.memref_slice %arg10[%dma_wait3A_252, %dma_wait3A_255, %dma_wait3A_256] : memref<8x128x16xf32, #tpu.memory_space<vmem>> -> memref<1x128x16xf32, #tpu.memory_space<vmem>>
      %dma_wait3A_258 = tpu.memref_squeeze %dma_wait3A_257 : memref<1x128x16xf32, #tpu.memory_space<vmem>> -> memref<128x16xf32, #tpu.memory_space<vmem>>
      %dma_wait3A_259 = arith.constant 0 : i32
      %dma_wait3A_260 = tpu.memref_slice %arg9[%dma_wait3A_253, %dma_wait3A_259] : memref<56x128xi32, #tpu.memory_space<vmem>> -> memref<1x128xi32, #tpu.memory_space<vmem>>
      %dma_wait3A_261 = tpu.memref_squeeze %dma_wait3A_260 : memref<1x128xi32, #tpu.memory_space<vmem>> -> memref<128xi32, #tpu.memory_space<vmem>>
      %dma_wait3A_262 = arith.constant 0 : i32
      %dma_wait3A_263 = arith.constant 0 : i32
      %dma_wait3A_264 = tpu.memref_slice %arg6[%dma_wait3A_262, %dma_wait3A_263] : memref<50048x16xf32, #tpu.memory_space<vmem_shared>> -> memref<50048x16xf32, #tpu.memory_space<vmem_shared>>
      %dma_wait3A_265 = tpu.memref_slice %arg12[%dma_wait3A_254] : memref<8x!tpu.dma_semaphore, #tpu.memory_space<semaphore_mem>> -> memref<1x!tpu.dma_semaphore, #tpu.memory_space<semaphore_mem>>
      %dma_wait3A_266 = tpu.memref_squeeze %dma_wait3A_265 : memref<1x!tpu.dma_semaphore, #tpu.memory_space<semaphore_mem>> -> memref<!tpu.dma_semaphore, #tpu.memory_space<semaphore_mem>>
      tpu.wait_indirect_dma semaphore(%dma_wait3A_266 : memref<!tpu.dma_semaphore, #tpu.memory_space<semaphore_mem>>) src(%dma_wait3A_258 : memref<128x16xf32, #tpu.memory_space<vmem>>) dst(%dma_wait3A_264 : memref<50048x16xf32, #tpu.memory_space<vmem_shared>>)
      %scan3A_267 = arith.constant 0 : i32
      scf.yield %scan3A_267 : i32
    }
    %scan3A_55 = arith.constant 14 : i32
    %barrier3A_56 = arith.constant 0 : index
    tpu.barrier barrier_id(%barrier3A_56)
    %mul3A_57 = arith.constant 3128 : i32
    %mul3A_58 = arith.muli %arg1, %mul3A_57 : i32
    %mul3A_59 = arith.constant 3128 : i32
    %mul3A_60 = arith.muli %arg1, %mul3A_59 : i32
    "tpu.region"() ({
      %run_scoped3A_61 = tpu.sem_alloc : memref<!tpu.dma_semaphore, #tpu.memory_space<semaphore_mem>>
      %dma_start3A = arith.constant 0 : i32
      %dma_start3A_62 = tpu.memref_slice %arg5[%arg0, %mul3A_60, %dma_start3A] : memref<2x50048x16xf32, #tpu.memory_space<hbm>> -> memref<1x3128x16xf32, #tpu.memory_space<hbm>>
      %dma_start3A_63 = tpu.memref_squeeze %dma_start3A_62 : memref<1x3128x16xf32, #tpu.memory_space<hbm>> -> memref<3128x16xf32, #tpu.memory_space<hbm>>
      %dma_start3A_64 = arith.constant 0 : i32
      %dma_start3A_65 = tpu.memref_slice %arg6[%mul3A_58, %dma_start3A_64] : memref<50048x16xf32, #tpu.memory_space<vmem_shared>> -> memref<3128x16xf32, #tpu.memory_space<vmem_shared>>
      tpu.enqueue_dma source(%dma_start3A_65 : memref<3128x16xf32, #tpu.memory_space<vmem_shared>>) target(%dma_start3A_63 : memref<3128x16xf32, #tpu.memory_space<hbm>>) target_semaphore(%run_scoped3A_61 : memref<!tpu.dma_semaphore, #tpu.memory_space<semaphore_mem>>)
      %dma_wait3A = arith.constant 0 : i32
      %dma_wait3A_66 = tpu.memref_slice %arg5[%arg0, %mul3A_60, %dma_wait3A] : memref<2x50048x16xf32, #tpu.memory_space<hbm>> -> memref<1x3128x16xf32, #tpu.memory_space<hbm>>
      %dma_wait3A_67 = tpu.memref_squeeze %dma_wait3A_66 : memref<1x3128x16xf32, #tpu.memory_space<hbm>> -> memref<3128x16xf32, #tpu.memory_space<hbm>>
      %dma_wait3A_68 = arith.constant 0 : i32
      %dma_wait3A_69 = tpu.memref_slice %arg6[%mul3A_58, %dma_wait3A_68] : memref<50048x16xf32, #tpu.memory_space<vmem_shared>> -> memref<3128x16xf32, #tpu.memory_space<vmem_shared>>
      tpu.wait_dma2 semaphore(%run_scoped3A_61 : memref<!tpu.dma_semaphore, #tpu.memory_space<semaphore_mem>>) src(%dma_wait3A_69 : memref<3128x16xf32, #tpu.memory_space<vmem_shared>>) dst(%dma_wait3A_67 : memref<3128x16xf32, #tpu.memory_space<hbm>>)
      tpu.yield
    }) : () -> ()
    return
  }
}

</mosaic_0001>

<sc_bundles>
// kernel: _sc_scatter.3.cloned.1.call-start
scs
__scs_entry_jumppad:
0x0: {  	(pc) =	sbr.rel $0x88, $3  }
0x1: {  	(tag) =	ssettag $0x0;
	lr =	simm.s32 $0x1  }
0x2: {  	[smem:$0x3F9E] =	sst lr;
	_ =	strace $0xD0000000  }
0x3: {  	_ = 	snop  }
0x4: {  	_ = 	snop  }
0x5: {  	_ = 	snop  }
0x6: {  	_ = 	snop  }
0x7: {  	_ = 	snop  }
__scs_overlays_trampoline_lowered:
0x8: {  	[smem:$0x3FAD] =	sst s0  }
0x9: {  	[smem:$0x3FAE] =	sst s1  }
0xa: {  	[smem:$0x3FAF] =	sst s2  }
0xb: {  	[smem:$0x3FB0] =	sst s3  }
0xc: {  	[smem:$0x3FB1] =	sst s4  }
0xd: {  	[smem:$0x3FB2] =	sst s5  }
0xe: {  	[smem:$0x3FB3] =	sst s6  }
0xf: {  	[smem:$0x3FB4] =	sst s7  }
0x10: {  	[smem:$0x3FB5] =	sst s8  }
0x11: {  	[smem:$0x3FB6] =	sst s9;
	s0 =	simm.s32 @!p0 $0x0  }
0x12: {  	s1 =	sld [smem:$0x3F9C];
	s0 =	simm.s32 @p0 $0x1  }
0x13: {  	[smem:$0x3FB7] =	sst s0;
	s0 =	simm.s32 @!p1 $0x0  }
0x14: {  	s2 =	sld [smem:$0x3F9B];
	s0 =	simm.s32 @p1 $0x1  }
0x15: {  	[smem:$0x3FB8] =	sst s0;
	s0 =	simm.s32 @!p2 $0x0  }
0x16: {  	s3 =	sld [smem:$0x3FDB];
	s0 =	simm.s32 @p2 $0x1  }
0x17: {  	s4 =	simm.s32 $0x1BF5;
	[smem:$0x3FBA] =	sst s0  }
0x18: {  	s0 =	sld [smem:$0x3F9D];
	_ =	swait.ge [sflag:s4], $0x0  }
0x19: {  	s7 =	sld [smem:$0x3F9E]  }
0x1a: {  	s8 =	sadd.s32 $0xFFFFE003, lr  }
0x1b: {  	s9 =	sadd.s32 $0xFFFFFEF7, lr;
	s5 =	simm.s32 $0xFFFFFFFF;
	p2 =	slt.u32 s8, $0xFFFFF086  }
0x1c: {  	p1 =	slt.u32 s9, $0xF7A;
	s5 =	simm.s32 @!p2 $0x0  }
0x1d: {  	s5 =	simm.s32 @p1 $0x1;
	p0 =	seq.s32 s7, s2  }
0x1e: {  	s7 =	smul.u32 @!p0 $0xF7A, s2;
	p2 =	seq.s32 @!p0 s5, $0x0  }
0x1f: {  	s9 =	smul.u32 $0xF7A, s1;
	s8 =	simm.s32 @!p0 $0x1BF5;
	p2 =	por !p2, p0  }
0x20: {  	[sflag:s8] =	ssyncset.s32 @!p0 $0xFFFFF086;
	s6 =	sadd.s32 @!p0 s3, s7;
	s7 =	simm.s32 @!p0 $0x108  }
0x21: {  	s3 =	sadd.s32 s3, s9;
	s6 =	sadd.s32 @!p0 $0x88, s6;
	s7 =	simm.s32 @p2 $0x1082  }
0x22: {  	[simem:s7], [sflag:s8] =	dma.local @!p0 [hbm:s6], $0xF7A  }
0x23: {  	s9 =	sor.u32 $0xD0000000, s2;
	s6 =	simm.s32 $0x108;
	_ =	swait.ge @!p0 [sflag:s8], $0x0  }
0x24: {  	s3 =	sadd.s32 $0x88, s3;
	s6 =	simm.s32 @!p1 $0x1082;
	[sflag:s4] =	ssyncset.s32 $0xFFFFF086  }
0x25: {  	[simem:s6], [sflag:s4] =	dma.local [hbm:s3], $0xF7A  }
0x26: {  	[smem:$0x3F9E] =	sst s1;
	(tag) =	ssettag s2;
	_ =	strace s9  }
0x27: {  	s1 =	sld [smem:$0x3FAE]  }
0x28: {  	s2 =	sld [smem:$0x3FAF]  }
0x29: {  	s4 =	sld [smem:$0x3FB1]  }
0x2a: {  	p0 =	seq.s32 s5, $0x0;
	s5 =	sld [smem:$0x3FB2]  }
0x2b: {  	s6 =	sld [smem:$0x3FB3]  }
0x2c: {  	s7 =	sld [smem:$0x3FB4]  }
0x2d: {  	s3 =	simm.s32 $0x108;
	s8 =	sld [smem:$0x3FB5]  }
0x2e: {  	s3 =	simm.s32 @!p0 $0x1082;
	s9 =	sld [smem:$0x3FB6]  }
0x2f: {  	lr =	sadd.s32 s0, s3;
	s0 =	sld [smem:$0x3FAD]  }
0x30: {  	s3 =	sld [smem:$0x3FB0]  }
0x31: {  	[smem:$0x3FB9] =	sst s10  }
0x32: {  	s10 =	sld [smem:$0x3FB7];
	_ =	sdelay $0x3  }
0x33: {  	p0 =	seq.s32 s10, $0x1;
	s10 =	sld [smem:$0x3FB9];
	_ =	sdelay $0x3  }
0x34: {  	[smem:$0x3FB9] =	sst s10  }
0x35: {  	s10 =	sld [smem:$0x3FB8];
	_ =	sdelay $0x3  }
0x36: {  	p1 =	seq.s32 s10, $0x1;
	s10 =	sld [smem:$0x3FB9];
	_ =	sdelay $0x3  }
0x37: {  	[smem:$0x3FB9] =	sst s10  }
0x38: {  	s10 =	sld [smem:$0x3FBA]  }
0x39: {  	_ = 	snop;
	(pc) =	sbr.ind lr, $3  }
0x3a: {  	_ = 	snop  }
0x3b: {  	_ = 	snop  }
0x3c: {  	p2 =	seq.s32 s10, $0x1;
	s10 =	sld [smem:$0x3FB9]  }
0x3d: {  	_ =	shalt  }
0x3e: {  	_ =	shalt  }
0x3f: {  	_ =	shalt  }
0x40: {  	_ =	shalt  }
0x41: {  	_ =	shalt  }
0x42: {  	_ =	shalt  }
0x43: {  	_ =	shalt  }
0x44: {  	_ =	shalt  }
0x45: {  	_ =	shalt  }
0x46: {  	_ =	shalt  }
0x47: {  	_ =	shalt  }
0x48: {  	_ =	shalt  }
0x49: {  	_ =	shalt  }
0x4a: {  	_ =	shalt  }
0x4b: {  	_ =	shalt  }
0x4c: {  	_ =	shalt  }
0x4d: {  	_ =	shalt  }
0x4e: {  	_ =	shalt  }
0x4f: {  	_ =	shalt  }
0x50: {  	_ =	shalt  }
0x51: {  	_ =	shalt  }
0x52: {  	_ =	shalt  }
0x53: {  	_ =	shalt  }
0x54: {  	_ =	shalt  }
0x55: {  	_ =	shalt  }
0x56: {  	_ =	shalt  }
0x57: {  	_ =	shalt  }
0x58: {  	_ =	shalt  }
0x59: {  	_ =	shalt  }
0x5a: {  	_ =	shalt  }
0x5b: {  	_ =	shalt  }
0x5c: {  	_ =	shalt  }
0x5d: {  	_ =	shalt  }
0x5e: {  	_ =	shalt  }
0x5f: {  	_ =	shalt  }
0x60: {  	_ =	shalt  }
0x61: {  	_ =	shalt  }
0x62: {  	_ =	shalt  }
0x63: {  	_ =	shalt  }
0x64: {  	_ =	shalt  }
0x65: {  	_ =	shalt  }
0x66: {  	_ =	shalt  }
0x67: {  	_ =	shalt  }
0x68: {  	_ =	shalt  }
0x69: {  	_ =	shalt  }
0x6a: {  	_ =	shalt  }
0x6b: {  	_ =	shalt  }
0x6c: {  	_ =	shalt  }
0x6d: {  	_ =	shalt  }
0x6e: {  	_ =	shalt  }
0x6f: {  	_ =	shalt  }
0x70: {  	_ =	shalt  }
0x71: {  	_ =	shalt  }
0x72: {  	_ =	shalt  }
0x73: {  	_ =	shalt  }
0x74: {  	_ =	shalt  }
0x75: {  	_ =	shalt  }
0x76: {  	_ =	shalt  }
0x77: {  	_ =	shalt  }
0x78: {  	_ =	shalt  }
0x79: {  	_ =	shalt  }
0x7a: {  	_ =	shalt  }
0x7b: {  	_ =	shalt  }
0x7c: {  	_ =	shalt  }
0x7d: {  	_ =	shalt  }
0x7e: {  	_ =	shalt  }
0x7f: {  	_ =	shalt  }
0x80: {  	_ =	shalt  }
0x81: {  	_ =	shalt  }
0x82: {  	_ =	shalt  }
0x83: {  	_ =	shalt  }
0x84: {  	_ =	shalt  }
0x85: {  	_ =	shalt  }
0x86: {  	_ =	shalt  }
0x87: {  	_ =	shalt  }
.Lfunc_end0:
.L_simem_size_0:
called_computation_lowered:
.L_overlay_start_0:
0x88: {  	s2 =	sld [smem:$0x3FD9]  }
0x89: {  	s3 =	sld [smem:$0x3FFE];
	_ =	sdelay $0x1  }
0x8a: {  	s1 =	srdreg.scid  }
0x8b: {  	s0 =	sand.u32 $0x1, s1  }
0x8c: {  	s17 =	sshll.u32 s0, $0xA;
	s2 =	sadd.s32 s3, s2  }
0x8d: {  	s2 =	sadd.s32 s2, s17  }
0x8e: {  	[smem:$0x3FC5] =	sst s2  }
0x8f: {  	_ = 	snop  }
0x90: {  	s2 =	sld [smem:$0x3FC7]  }
0x91: {  	s18 =	sld [smem:$0x3FD0];
	(tm) =	ssettm $0x1  }
0x92: {  	s4 =	sld [smem:$0x3FFB];
	_ =	sdelay $0x3  }
0x93: {  	_ =	strace s4  }
0x94: {  	s4 =	sld [smem:$0x3FFC];
	_ =	sdelay $0x3  }
0x95: {  	_ =	strace s4  }
0x96: {  	s4 =	sld [smem:$0x3FFD];
	_ =	sdelay $0x3  }
0x97: {  	_ =	strace s4  }
0x98: {  	_ =	strace $0x8FFFFFFF  }
0x99: {  	s19 =	sld [smem:$0x3FDB];
	_ =	sdelay $0x1  }
0x9a: {  	s5 =	simm.s32 $_scs_section_size  }
0x9b: {  	s6 =	simm.s32 $_size__tile_overlayer_lowered;
	s7 =	simm.s32 $_tile_overlayer_lowered  }
0x9c: {  	s22 =	simm.s32 $0x1BFF;
	s21 =	sshll.u32 s7, $0x1;
	s4 =	sadd.s32 s5, s19  }
0x9d: {  	s8 =	simm.s32 $0x0;
	s20 =	sshll.u32 s6, $0x1;
	s6 =	sadd.s32 s21, s4  }
0x9e: {  	[timem:s8], [sflag:s22] =	dma.local [hbm:s6], s20  }
0x9f: {  	_ =	swait.ge [sflag:s22], s20  }
0xa0: {  	s5 =	ssub.s32 $0x0, s20;
	[sflag:s22] =	ssyncset.done $0x0  }
0xa1: {  	[sflag:s22] =	ssyncadd.s32 s5;
	_ =	sdelay $0x1  }
0xa2: {  	s23 =	simm.s32 $0x1B8B  }
0xa3: {  	_ =	swait.ge [sflag:s23], $0x1  }
0xa4: {  	[sflag:s23] =	ssyncset.done $0x0  }
0xa5: {  	s25 =	simm.s32 $0x1B8E;
	s24 =	sld [smem:$0x3FFE];
	[sflag:s23] =	ssyncadd.s32 $0xFFFFFFFF  }
0xa6: {  	s26 =	simm.s32 $execute0_lowered;
	[smem:$0x3FD2] =	sst s25  }
0xa7: {  	s6 =	sshll.u32 s26, $0x1;
	_ =	strace $0x80000046;
	[dreg:$0x1] =	wrdreg $0xFFFFFFFF  }
0xa8: {  	s28 =	simm.s32 $_size_execute0_lowered;
	s4 =	sadd.s32 s4, s6;
	[dreg:$0x0] =	wrdreg $0x0  }
0xa9: {  	s6 =	sshll.u32 s28, $0x1;
	[dreg:$0x2] =	wrdreg s4  }
0xaa: {  	[dreg:$0x3] =	wrdreg s6  }
0xab: {  	[dreg:$0x4] =	wrdreg $0xC0  }
0xac: {  	_ =	task [dreg:s8], $0x5FFFF  }
0xad: {  	[dreg:$0x1] =	wrdreg $0xFFFFFFFF  }
0xae: {  	[dreg:$0x0] =	wrdreg $0x60  }
0xaf: {  	[dreg:$0x2] =	wrdreg s24  }
0xb0: {  	[dreg:$0x3] =	wrdreg s2  }
0xb1: {  	[dreg:$0x4] =	wrdreg s18  }
0xb2: {  	[dreg:$0x5] =	wrdreg $0x0  }
0xb3: {  	[dreg:$0x6] =	wrdreg $0xC3800  }
0xb4: {  	[dreg:$0x7] =	wrdreg $0x9  }
0xb5: {  	_ =	task.clear_ibuf [dreg:s8], $0x8FFFF;
	_ =	strace $0x90000046  }
0xb6: {  	s29 =	simm.s32 $0x9;
	_ =	strace $0x80000048  }
0xb7: {  	_ =	swait.ge [sflag:s29], $0x1  }
0xb8: {  	[sflag:s29] =	ssyncadd.s32 $0xFFFFFFFF  }
0xb9: {  	_ =	strace $0x90000048  }
0xba: {  	_ =	sfence  }
0xbb: {  	s30 =	sld [smem:$0x0];
	_ =	sdelay $0x2  }
0xbc: {  	s31 =	sshll.u32 s1, $0xD;
	s1 =	sshrl.u32 s1, $0x2  }
0xbd: {  	s3 =	sand.u32 $0x4000, s31;
	s1 =	sadd.s32 s1, s30  }
0xbe: {  	s0 =	sor.u32 s3, s0;
	s1 =	sshll.u32 s1, $0x11  }
0xbf: {  	s0 =	sor.u32 s1, s0  }
0xc0: {  	s0 =	sadd.s32 $0x8F2B, s0  }
0xc1: {  	[sflag:s0] =	ssyncadd.remote.s32 $0x1  }
0xc2: {  	_ =	sfence.sel $0xFFFF  }
0xc3: {  	[dreg:$0x0] =	wrdreg $0xFFFFFFFF;
	(pc) =	sbr.abs _section_cstart, $3  }
0xc4: {  	[dreg:$0x1] =	wrdreg $0xFFFFFFFF  }
0xc5: {  	_ =	task.clear_ibuf [dreg:s8], $0x2FFFF;
	_ =	strace $0x9FFFFFFF  }
0xc6: {  	(tm) =	ssettm $0x7FFFFFFF  }
0xc7: {  	_ =	shalt  }
tec
execute0_lowered:
.L_overlay_start_1:
0x0: {  	(tag) =	ssettag $0x1  }
0x1: {  	s0 =	rddreg [dreg:$0x0]  }
0x2: {  	s1 =	rddreg [dreg:$0x2]  }
0x3: {  	s2 =	rddreg [dreg:$0x3]  }
0x4: {  	s4 =	rddreg [dreg:$0x4];
	s3 =	srdreg.scid;
	s14 =	simm.s32 $0x0  }
0x5: {  	s9 =	stileid.u32;
	s29 =	simm.s32 $0x1C700;
	s31 =	simm.s32 $0x1CF00  }
0x6: {  	s30 =	simm.s32 $0xC;
	s12 =	simm.s32 $0x10;
	s3 =	sand.u32 $0x1, s3  }
0x7: {  	[smem:$0x7FF] =	sst s14;
	s6 =	smul.u32 $0xC380, s9;
	s10 =	sadd.s32 $0x600, s0  }
0x8: {  	s11 =	sadd.s32 $0x18E00, s0;
	p4 =	sne.s32 s9, $0xF;
	s20 =	smul.u32 $0x310, s9  }
0x9: {  	p0 =	seq.s32 s9, $0xF;
	s17 =	sadd.s32 $0xB7480, s4;
	s22 =	smul.u32 $0x30E00, s9  }
0xa: {  	s9 =	simm.s32 $0x3;
	s5 =	ssub.s32 $0x2, s3;
	_ =	strace $0x80000047  }
0xb: {  	p1 =	seq.s32 s3, $0x0;
	s8 =	smul.u32 $0xC3800, s3;
	[dreg:$0x7] =	wrdreg s10  }
0xc: {  	[dreg:$0x8] =	wrdreg s11;
	s23 =	smul.u32 $0x188000, s3;
	s26 =	sshrl.u32 s17, $0x3  }
0xd: {  	s17 =	simm.s32 $0x4;
	s7 =	sshrl.u32 s5, $0x1;
	s15 =	sadd.s32 $0xC000, s6  }
0xe: {  	p2 =	por !p1, !p4;
	p3 =	por !p1, !p0;
	s18 =	sadd.s32 s6, s4  }
0xf: {  	s19 =	sshrl.u32 s6, $0x3;
	[dreg:$0xd] =	wrdreg s20;
	s24 =	sshrl.u32 s22, $0x2  }
0x10: {  	s25 =	sadd.s32 s6, s2;
	s20 =	simm.s32 $0x1BF00;
	[dreg:$0x13] =	wrdreg s26  }
0x11: {  	s26 =	simm.s32 $0x80;
	s22 =	simm.s32 $0x1DF00;
	s13 =	ssub.s32 s5, s7  }
0x12: {  	s16 =	sadd.s32 s15, s2;
	s5 =	sadd.s32 s15, s4;
	p1 =	por !p2, !p2  }
0x13: {  	p2 =	por !p3, !p3;
	[dreg:$0xb] =	wrdreg s18;
	p3 =	seq.s32 s3, $0x1  }
0x14: {  	s10 =	sadd.s32 s10, s19;
	s7 =	sadd.s32 s11, s19;
	s21 =	sadd.s32 s6, s8  }
0x15: {  	[dreg:$0xf] =	wrdreg s23;
	s3 =	sxor.u32 $0x1, s3;
	s18 =	sadd.s32 s24, s4  }
0x16: {  	s19 =	sadd.s32 s24, s2;
	s28 =	sshrl.u32 s25, $0x3;
	[dreg:$0x9] =	wrdreg s16  }
0x17: {  	s11 =	simm.s32 $0x1D700;
	s8 =	simm.s32 $0x1EF00;
	[dreg:$0xa] =	wrdreg s5  }
0x18: {  	s25 =	simm.s32 $0x7;
	p4 =	por !p4, !p3;
	[dreg:$0xc] =	wrdreg s10  }
0x19: {  	[dreg:$0xe] =	wrdreg s7;
	s7 =	sshrl.u32 s21, $0x3;
	s3 =	smul.u32 $0x188000, s3  }
.Ltmp0:
0x1a: {  	s0 =	smax.u32 s13, $0x1;
	s21 =	simm.s32 $0x11;
	(pc) =	sbr.rel .LBB2_1-.Ltmp0, $4  }
0x1b: {  	[dreg:$0x14] =	wrdreg s28;
	s13 =	simm.s32 $0x1E700;
	s16 =	simm.s32 $0x1F700  }
0x1c: {  	s10 =	simm.s32 $0x8;
	p4 =	por !p4, !p4;
	[dreg:$0x12] =	wrdreg s0  }
0x1d: {  	s1 =	sadd.s32 s1, s7;
	s7 =	simm.s32 $0x1;
	[dreg:$0x10] =	wrdreg s3  }
0x1e: {  	v0 =	vimm.f32 $0.0e+00;
	s0 =	simm.s32 $0xD;
	[dreg:$0x11] =	wrdreg s1;
	s3 =	simm.s32 $0x2  }
.LBB2_15:
0x1f: {  	[bflag:$0x0] =	sbarrier.arrive $0xFFFF  }
0x20: {  	s1 =	rddreg [dreg:$0x11]  }
0x21: {  	s5 =	rddreg [dreg:$0x14]  }
0x22: {  	s6 =	rddreg [dreg:$0x15]  }
0x23: {  	[hbm:s1], [sflag:s6] =	dma.local [spmem:s5], $0x1870  }
0x24: {  	_ =	swait.ge [sflag:s21], $0x1870  }
0x25: {  	s14 =	rddreg [dreg:$0x6]  }
0x26: {  	s28 =	rddreg [dreg:$0x12];
	s14 =	sadd.s32 $0x1, s14  }
0x27: {  	p5 =	sne.s32 s14, s28  }
.Ltmp1:
0x28: {  	_ = 	snop;
	(pc) =	sbr.rel @!p5 .LBB2_16-.Ltmp1, $3  }
0x29: {  	_ =	sdelay $0x1  }
0x2a: {  	[sflag:s21] =	ssyncset.done $0x0  }
0x2b: {  	[sflag:s21] =	ssyncadd.s32 $0xFFFFE790  }
.LBB2_1:
0x2c: {  	[dreg:$0x6] =	wrdreg s14;
	s5 =	simm.s32 $0x0  }
.LBB2_2:
0x2d: {  	p5 =	sne.s32 s5, $0x1FC0  }
.Ltmp2:
0x2e: {  	_ = 	snop;
	(pc) =	sbr.rel @p5 .LBB2_2-.Ltmp2, $3  }
0x2f: {  	_ =	sdelay $0x1  }
0x30: {  	s14 =	sshra.s32 s5, $0x2  }
0x31: {  	s5 =	sadd.s32 $0x40, s5;
	[tilespmem:s14+$0x1BF00] =	vst v0  }
0x32: {  	s5 =	sadd.s32 $0x0, s19  }
0x33: {  	[spmem:s5] =	stream.linear.scatter [tilespmem:s20], [sflag:$0x11], $0x800, $0x38;
	[tilespmem:$0x1FF00] =	vst v63  }
0x34: {  	_ =	swait.ge [sflag:s21], $0x800  }
0x35: {  	[sflag:s21] =	ssyncset.done $0x0  }
0x36: {  	s28 =	sadd.s32 $0x0, s18;
	[sflag:s21] =	ssyncadd.s32 $0xFFFFF800  }
0x37: {  	[spmem:s28] =	stream.linear.scatter [tilespmem:s20], [sflag:$0x11], $0x800, $0x38;
	[tilespmem:$0x1FF00] =	vst v63  }
0x38: {  	_ =	swait.ge [sflag:s21], $0x800  }
0x39: {  	s14 =	simm.s32 $0x4000;
	s5 =	simm.s32 $0x800;
	[sflag:s21] =	ssyncset.done $0x0  }
.LBB2_4:
0x3a: {  	s15 =	sadd.s32 s5, s19  }
0x3b: {  	[sflag:s21] =	ssyncadd.s32 $0xFFFFF800;
	s23 =	smov.u32 s14;
	s24 =	sadd.s32 $0x2000, s14  }
0x3c: {  	[spmem:s15] =	stream.linear.scatter [tilespmem:s20], [sflag:$0x11], $0x800, $0x38;
	[tilespmem:$0x1FF00] =	vst v63  }
0x3d: {  	p5 =	sne.s32 s14, $0x2E000;
	_ =	swait.ge [sflag:s21], $0x800  }
.Ltmp3:
0x3e: {  	[sflag:s21] =	ssyncset.done $0x0;
	(pc) =	sbr.rel @p5 .LBB2_4-.Ltmp3, $4  }
0x3f: {  	s5 =	sadd.s32 s5, s18;
	[sflag:s21] =	ssyncadd.s32 $0xFFFFF800  }
0x40: {  	[spmem:s5] =	stream.linear.scatter [tilespmem:s20], [sflag:$0x11], $0x800, $0x38;
	[tilespmem:$0x1FF00] =	vst v63  }
0x41: {  	_ =	swait.ge [sflag:s21], $0x800  }
0x42: {  	s14 =	smov.u32 s24;
	s5 =	sshra.s32 s23, $0x2;
	[sflag:s21] =	ssyncset.done $0x0  }
0x43: {  	s14 =	sadd.s32 s5, s19;
	[sflag:s21] =	ssyncadd.s32 $0xFFFFF800  }
0x44: {  	[spmem:s14] =	stream.linear.scatter [tilespmem:s20], [sflag:$0x11], $0x800, $0x38;
	[tilespmem:$0x1FF00] =	vst v63  }
0x45: {  	_ =	swait.ge [sflag:s21], $0x800  }
0x46: {  	[sflag:s21] =	ssyncset.done $0x0  }
0x47: {  	s15 =	sadd.s32 s5, s18;
	[sflag:s21] =	ssyncadd.s32 $0xFFFFF800  }
0x48: {  	[spmem:s15] =	stream.linear.scatter [tilespmem:s20], [sflag:$0x11], $0x800, $0x38;
	[tilespmem:$0x1FF00] =	vst v63  }
0x49: {  	_ =	swait.ge [sflag:s21], $0x800  }
0x4a: {  	[sflag:s21] =	ssyncset.done $0x0  }
0x4b: {  	s1 =	rddreg [dreg:$0x9];
	[sflag:s21] =	ssyncadd.s32 $0xFFFFF800  }
0x4c: {  	[spmem:s1] =	stream.linear.scatter [tilespmem:s20], [sflag:$0x11], $0x380, $0x38;
	[tilespmem:$0x1FF00] =	vst v63  }
0x4d: {  	_ =	swait.ge [sflag:s21], $0x380  }
0x4e: {  	s24 =	stileid.u32;
	[sflag:s21] =	ssyncset.done $0x0  }
.Ltmp4:
0x4f: {  	s23 =	rddreg [dreg:$0xa];
	[sflag:s21] =	ssyncadd.s32 $0xFFFFFC80;
	(pc) =	sbr.rel @!p1 .LBB2_7-.Ltmp4, $4  }
0x50: {  	[spmem:s23] =	stream.linear.scatter [tilespmem:s20], [sflag:$0x11], $0x380, $0x38;
	[tilespmem:$0x1FF00] =	vst v63  }
0x51: {  	s28 =	sshll.u32 s24, $0x6;
	_ =	swait.ge [sflag:s21], $0x380  }
0x52: {  	s6 =	sor.u32 $0x1C11, s28;
	[sflag:s21] =	ssyncset.done $0x0  }
0x53: {  	[dreg:$0x15] =	wrdreg s6;
	[sflag:s21] =	ssyncadd.s32 $0xFFFFFC80  }
0x54: {  	s1 =	rddreg [dreg:$0xb]  }
.Ltmp5:
0x55: {  	s28 =	rddreg [dreg:$0xc];
	s5 =	sshrl.u32 s1, $0x3;
	(pc) =	sbr.rel .LBB2_8-.Ltmp5, $4  }
0x56: {  	[spmem:s5], [sflag:s6] =	dma.local [hbm:s28], $0x1870  }
0x57: {  	_ =	swait.ge [sflag:s21], $0x1870  }
0x58: {  	[sflag:s21] =	ssyncset.done $0x0  }
0x59: {  	p5 =	por $0x0, $0x0;
	[sflag:s21] =	ssyncadd.s32 $0xFFFFE790  }
.LBB2_7:
.Ltmp6:
0x5a: {  	(pc) =	sbr.rel @p2 .LBB2_9-.Ltmp6, $2  }
0x5b: {  	_ =	sdelay $0x2  }
0x5c: {  	s14 =	simm.s32 $0xF;
	p5 =	por p0, p0;
	s5 =	rddreg [dreg:$0x7]  }
.LBB2_8:
0x5d: {  	s1 =	stileid.u32  }
0x5e: {  	p6 =	por @p4 $0x1, $0x1;
	s5 =	sshll.u32 @p4 s1, $0x6  }
0x5f: {  	s1 =	rddreg [dreg:$0xb];
	p6 =	por @!p4 p3, p3;
	s5 =	sor.u32 @p4 $0x1C11, s5  }
0x60: {  	s14 =	sshrl.u32 @p4 s1, $0x3;
	s1 =	rddreg [dreg:$0xe];
	p5 =	por !p6, !p5  }
0x61: {  	[spmem:s14], [sflag:s5] =	dma.local @p4 [hbm:s1], $0x1870  }
0x62: {  	p5 =	por !p5, !p5  }
.Ltmp7:
0x63: {  	_ = 	snop;
	(pc) =	sbr.rel @!p5 .LBB2_10-.Ltmp7, $4  }
0x64: {  	s5 =	simm.s32 @p4 $0x11  }
0x65: {  	_ =	swait.ge @p4 [sflag:s5], $0x1870  }
0x66: {  	[sflag:s5] =	ssyncset.done @p4 $0x0  }
0x67: {  	s14 =	stileid.u32;
	[sflag:s5] =	ssyncadd.s32 @p4 $0xFFFFE790;
	s5 =	rddreg [dreg:$0x8]  }
.LBB2_9:
0x68: {  	s14 =	sshll.u32 s14, $0x6  }
0x69: {  	s5 =	sadd.s32 $0x16E90, s5;
	s1 =	rddreg [dreg:$0x13];
	s14 =	sor.u32 $0x1C11, s14  }
0x6a: {  	[spmem:s1], [sflag:s14] =	dma.local [hbm:s5], $0x1810  }
0x6b: {  	_ =	swait.ge [sflag:s21], $0x1810  }
0x6c: {  	[sflag:s21] =	ssyncset.done $0x0  }
0x6d: {  	[sflag:s21] =	ssyncadd.s32 $0xFFFFE7F0  }
.LBB2_10:
.Ltmp8:
0x6e: {  	(pc) =	sbr.rel .LBB2_11-.Ltmp8, $3  }
0x6f: {  	_ =	sdelay $0x1  }
0x70: {  	[bflag:$0x0] =	sbarrier.arrive $0xFFFF  }
0x71: {  	s14 =	simm.s32 $0x0;
	s15 =	simm.s32 $0x0  }
.LBB2_14:
0x72: {  	_ =	swait.ge [sflag:s10], $0x800  }
0x73: {  	[sflag:s10] =	ssyncset.done $0x0  }
0x74: {  	s1 =	simm.s32 $0x9;
	[sflag:s10] =	ssyncadd.s32 $0xFFFFF800  }
0x75: {  	[spmem:s2] =	stream.indirect.scatter.add.f32 [tilespmem:s16], [sflag:$0x10], $0x10, s24, s26, $0xb8;
	[tilespmem:$0x1FF00] =	vst v63  }
0x76: {  	_ =	swait.ge [sflag:s1], $0x800  }
0x77: {  	[sflag:s1] =	ssyncset.done $0x0  }
0x78: {  	s6 =	simm.s32 $0xA;
	[sflag:s1] =	ssyncadd.s32 $0xFFFFF800  }
0x79: {  	_ =	swait.ge [sflag:s6], $0x800  }
0x7a: {  	[sflag:s6] =	ssyncset.done $0x0  }
0x7b: {  	s23 =	simm.s32 $0xB;
	[sflag:s6] =	ssyncadd.s32 $0xFFFFF800  }
0x7c: {  	_ =	swait.ge [sflag:s23], $0x800  }
0x7d: {  	[sflag:s23] =	ssyncset.done $0x0  }
0x7e: {  	[sflag:s23] =	ssyncadd.s32 $0xFFFFF800  }
0x7f: {  	_ =	swait.ge [sflag:s30], $0x800  }
0x80: {  	[sflag:s30] =	ssyncset.done $0x0  }
0x81: {  	[sflag:s30] =	ssyncadd.s32 $0xFFFFF800  }
0x82: {  	_ =	swait.ge [sflag:s0], $0x800  }
0x83: {  	[sflag:s0] =	ssyncset.done $0x0  }
0x84: {  	s24 =	simm.s32 $0xE;
	[sflag:s0] =	ssyncadd.s32 $0xFFFFF800  }
0x85: {  	_ =	swait.ge [sflag:s24], $0x800  }
0x86: {  	[sflag:s24] =	ssyncset.done $0x0  }
0x87: {  	s28 =	simm.s32 $0xF;
	s15 =	sadd.s32 $0x1, s15;
	[sflag:s24] =	ssyncadd.s32 $0xFFFFF800  }
0x88: {  	p5 =	sne.s32 s15, $0xE;
	_ =	swait.ge [sflag:s28], $0x800  }
.Ltmp9:
0x89: {  	[sflag:s28] =	ssyncset.done $0x0;
	(pc) =	sbr.rel @!p5 .LBB2_15-.Ltmp9, $4  }
0x8a: {  	[sflag:s28] =	ssyncadd.s32 $0xFFFFF800  }
0x8b: {  	_ =	swait.ge [sflag:s12], $0x800  }
0x8c: {  	[sflag:s12] =	ssyncset.done $0x0  }
0x8d: {  	[sflag:s12] =	ssyncadd.s32 $0xFFFFF800  }
.LBB2_11:
0x8e: {  	s5 =	smul.u32 $0x38, s15  }
0x8f: {  	s1 =	rddreg [dreg:$0xd]  }
0x90: {  	s5 =	sadd.s32 s1, s5  }
0x91: {  	s24 =	rddreg [dreg:$0xf];
	s5 =	sshll.u32 s5, $0x7  }
0x92: {  	s23 =	sadd.s32 s24, s5  }
0x93: {  	s28 =	rddreg [dreg:$0x1];
	s23 =	sshrl.u32 s23, $0x3  }
0x94: {  	s24 =	simm.s32 $0x18700;
	s23 =	sadd.s32 s28, s23  }
0x95: {  	[tilespmem:s24], [sflag:$0x11] =	stream.linear.gather [hbm4b:s23+s14], $0x1C00, $0x38;
	[tilespmem:$0x1FF00] =	vst v63  }
0x96: {  	_ =	swait.ge [sflag:s21], $0x1C00  }
0x97: {  	s6 =	rddreg [dreg:$0x10]  }
0x98: {  	s5 =	sadd.s32 s6, s5  }
0x99: {  	[sflag:s21] =	ssyncset.done $0x0;
	s5 =	sshrl.u32 s5, $0x3  }
0x9a: {  	[sflag:s21] =	ssyncadd.s32 $0xFFFFE400;
	s5 =	sadd.s32 s28, s5;
	s28 =	simm.s32 $0x1A300  }
0x9b: {  	[tilespmem:s28], [sflag:$0x11] =	stream.linear.gather [hbm4b:s5+s14], $0x1C00, $0x38;
	[tilespmem:$0x1FF00] =	vst v63  }
0x9c: {  	_ =	swait.ge [sflag:s21], $0x1C00  }
0x9d: {  	[sflag:s21] =	ssyncset.done $0x0  }
0x9e: {  	[sflag:s21] =	ssyncadd.s32 $0xFFFFE400  }
0x9f: {  	[tilespmem:s20], [sflag:$0x1] =	stream.indirect.gather [spmem:s4], $0x10, s24, s26, $0xb8;
	[tilespmem:$0x1FF00] =	vst v63  }
0xa0: {  	s6 =	simm.s32 $0x18780  }
0xa1: {  	[tilespmem:s29], [sflag:$0x2] =	stream.indirect.gather [spmem:s4], $0x10, s6, s26, $0xb8;
	[tilespmem:$0x1FF00] =	vst v63  }
0xa2: {  	s23 =	simm.s32 $0x18800  }
0xa3: {  	[tilespmem:s31], [sflag:$0x3] =	stream.indirect.gather [spmem:s4], $0x10, s23, s26, $0xb8;
	[tilespmem:$0x1FF00] =	vst v63  }
0xa4: {  	s24 =	simm.s32 $0x18880  }
0xa5: {  	[tilespmem:s11], [sflag:$0x4] =	stream.indirect.gather [spmem:s4], $0x10, s24, s26, $0xb8;
	[tilespmem:$0x1FF00] =	vst v63  }
0xa6: {  	s28 =	simm.s32 $0x18900;
	s23 =	simm.s32 $0x0  }
0xa7: {  	[tilespmem:s22], [sflag:$0x5] =	stream.indirect.gather [spmem:s4], $0x10, s28, s26, $0xb8;
	[tilespmem:$0x1FF00] =	vst v63  }
.LBB2_12:
0xa8: {  	_ =	swait.ge [sflag:s7], $0x800  }
0xa9: {  	s5 =	sshra.s32 s23, $0x2;
	[sflag:s7] =	ssyncset.done $0x0  }
0xaa: {  	p5 =	seq.s32 s23, $0x0;
	s24 =	sadd.s32 $0x1A300, s5;
	[sflag:s7] =	ssyncadd.s32 $0xFFFFF800  }
0xab: {  	[spmem:s2] =	stream.indirect.scatter.add.f32 [tilespmem:s20], [sflag:$0x9], $0x10, s24, s26, $0xb8;
	[tilespmem:$0x1FF00] =	vst v63  }
0xac: {  	s24 =	simm.s32 @!p5 $0xE  }
0xad: {  	_ =	swait.ge @!p5 [sflag:s24], $0x800  }
0xae: {  	[sflag:s24] =	ssyncset.done @!p5 $0x0  }
0xaf: {  	s28 =	sadd.s32 $0x18980, s5;
	[sflag:s24] =	ssyncadd.s32 @!p5 $0xFFFFF800  }
0xb0: {  	[tilespmem:s13], [sflag:$0x6] =	stream.indirect.gather [spmem:s4], $0x10, s28, s26, $0xb8;
	[tilespmem:$0x1FF00] =	vst v63  }
0xb1: {  	_ =	swait.ge [sflag:s3], $0x800  }
0xb2: {  	[sflag:s3] =	ssyncset.done $0x0  }
0xb3: {  	s1 =	sadd.s32 $0x1A380, s5;
	s24 =	simm.s32 @!p5 $0xF;
	[sflag:s3] =	ssyncadd.s32 $0xFFFFF800  }
0xb4: {  	[spmem:s2] =	stream.indirect.scatter.add.f32 [tilespmem:s29], [sflag:$0xA], $0x10, s1, s26, $0xb8;
	[tilespmem:$0x1FF00] =	vst v63  }
0xb5: {  	_ =	swait.ge @!p5 [sflag:s24], $0x800  }
0xb6: {  	[sflag:s24] =	ssyncset.done @!p5 $0x0  }
0xb7: {  	s6 =	sadd.s32 $0x18A00, s5;
	[sflag:s24] =	ssyncadd.s32 @!p5 $0xFFFFF800  }
0xb8: {  	[tilespmem:s8], [sflag:$0x7] =	stream.indirect.gather [spmem:s4], $0x10, s6, s26, $0xb8;
	[tilespmem:$0x1FF00] =	vst v63  }
0xb9: {  	_ =	swait.ge [sflag:s9], $0x800  }
0xba: {  	[sflag:s9] =	ssyncset.done $0x0  }
0xbb: {  	s28 =	sadd.s32 $0x1A400, s5;
	s24 =	simm.s32 @!p5 $0x10;
	[sflag:s9] =	ssyncadd.s32 $0xFFFFF800  }
0xbc: {  	[spmem:s2] =	stream.indirect.scatter.add.f32 [tilespmem:s31], [sflag:$0xB], $0x10, s28, s26, $0xb8;
	[tilespmem:$0x1FF00] =	vst v63  }
0xbd: {  	_ =	swait.ge @!p5 [sflag:s24], $0x800  }
0xbe: {  	[sflag:s24] =	ssyncset.done @!p5 $0x0  }
0xbf: {  	s1 =	sadd.s32 $0x18A80, s5;
	[sflag:s24] =	ssyncadd.s32 @!p5 $0xFFFFF800  }
0xc0: {  	[tilespmem:s16], [sflag:$0x8] =	stream.indirect.gather [spmem:s4], $0x10, s1, s26, $0xb8;
	[tilespmem:$0x1FF00] =	vst v63  }
0xc1: {  	_ =	swait.ge [sflag:s17], $0x800  }
0xc2: {  	p5 =	seq.s32 s23, $0x6000;
	[sflag:s17] =	ssyncset.done $0x0  }
0xc3: {  	s6 =	sadd.s32 $0x1A480, s5;
	s24 =	simm.s32 @p5 $0x5;
	[sflag:s17] =	ssyncadd.s32 $0xFFFFF800  }
0xc4: {  	[spmem:s2] =	stream.indirect.scatter.add.f32 [tilespmem:s11], [sflag:$0xC], $0x10, s6, s26, $0xb8;
	[tilespmem:$0x1FF00] =	vst v63  }
0xc5: {  	_ =	swait.ge @p5 [sflag:s24], $0x800  }
0xc6: {  	[sflag:s24] =	ssyncset.done @p5 $0x0  }
0xc7: {  	[sflag:s24] =	ssyncadd.s32 @p5 $0xFFFFF800;
	s24 =	sshra.s32 @p5 s23, $0x2  }
0xc8: {  	s1 =	simm.s32 @p5 $0x1DF00;
	s6 =	simm.s32 @p5 $0x80;
	s28 =	sadd.s32 @p5 $0x1A500, s24  }
0xc9: {  	[spmem:s2] =	stream.indirect.scatter.add.f32 @p5 [tilespmem:s1], [sflag:$0xD], $0x10, s28, s6, $0xb8;
	[tilespmem:$0x1FF00] =	vst v63  }
0xca: {  	s1 =	simm.s32 @p5 $0x6  }
0xcb: {  	_ =	swait.ge @p5 [sflag:s1], $0x800  }
0xcc: {  	[sflag:s1] =	ssyncset.done @p5 $0x0  }
0xcd: {  	[sflag:s1] =	ssyncadd.s32 @p5 $0xFFFFF800;
	s1 =	sadd.s32 @p5 $0x1A580, s24;
	s24 =	simm.s32 @p5 $0x1E700  }
0xce: {  	[spmem:s2] =	stream.indirect.scatter.add.f32 @p5 [tilespmem:s24], [sflag:$0xE], $0x10, s1, s6, $0xb8;
	[tilespmem:$0x1FF00] =	vst v63  }
0xcf: {  	s1 =	simm.s32 @!p5 $0x9  }
0xd0: {  	_ =	swait.ge @!p5 [sflag:s1], $0x800  }
0xd1: {  	[sflag:s1] =	ssyncset.done @!p5 $0x0  }
0xd2: {  	[sflag:s1] =	ssyncadd.s32 @!p5 $0xFFFFF800;
	s1 =	sshra.s32 @!p5 s23, $0x2  }
0xd3: {  	s28 =	simm.s32 @!p5 $0x1BF00;
	s24 =	simm.s32 @!p5 $0x80;
	s6 =	sadd.s32 @!p5 $0x18B00, s1  }
0xd4: {  	[tilespmem:s28], [sflag:$0x1] =	stream.indirect.gather @!p5 [spmem:s4], $0x10, s6, s24, $0xb8;
	[tilespmem:$0x1FF00] =	vst v63  }
0xd5: {  	s6 =	simm.s32 @!p5 $0x5  }
0xd6: {  	_ =	swait.ge @!p5 [sflag:s6], $0x800  }
0xd7: {  	[sflag:s6] =	ssyncset.done @!p5 $0x0  }
0xd8: {  	s28 =	simm.s32 @!p5 $0x1DF00;
	[sflag:s6] =	ssyncadd.s32 @!p5 $0xFFFFF800;
	s6 =	sadd.s32 @!p5 $0x1A500, s1  }
0xd9: {  	[spmem:s2] =	stream.indirect.scatter.add.f32 @!p5 [tilespmem:s28], [sflag:$0xD], $0x10, s6, s24, $0xb8;
	[tilespmem:$0x1FF00] =	vst v63  }
0xda: {  	s6 =	simm.s32 @!p5 $0xA  }
0xdb: {  	_ =	swait.ge @!p5 [sflag:s6], $0x800  }
0xdc: {  	[sflag:s6] =	ssyncset.done @!p5 $0x0  }
0xdd: {  	s28 =	simm.s32 @!p5 $0x1C700;
	[sflag:s6] =	ssyncadd.s32 @!p5 $0xFFFFF800;
	s6 =	sadd.s32 @!p5 $0x18B80, s1  }
0xde: {  	[tilespmem:s28], [sflag:$0x2] =	stream.indirect.gather @!p5 [spmem:s4], $0x10, s6, s24, $0xb8;
	[tilespmem:$0x1FF00] =	vst v63  }
0xdf: {  	s6 =	simm.s32 @!p5 $0x6  }
0xe0: {  	_ =	swait.ge @!p5 [sflag:s6], $0x800  }
0xe1: {  	[sflag:s6] =	ssyncset.done @!p5 $0x0  }
0xe2: {  	s28 =	simm.s32 @!p5 $0x1E700;
	[sflag:s6] =	ssyncadd.s32 @!p5 $0xFFFFF800;
	s6 =	sadd.s32 @!p5 $0x1A580, s1  }
0xe3: {  	[spmem:s2] =	stream.indirect.scatter.add.f32 @!p5 [tilespmem:s28], [sflag:$0xE], $0x10, s6, s24, $0xb8;
	[tilespmem:$0x1FF00] =	vst v63  }
0xe4: {  	s6 =	simm.s32 @!p5 $0xB  }
0xe5: {  	_ =	swait.ge @!p5 [sflag:s6], $0x800  }
0xe6: {  	[sflag:s6] =	ssyncset.done @!p5 $0x0  }
0xe7: {  	s1 =	sadd.s32 @!p5 $0x18C00, s1;
	[sflag:s6] =	ssyncadd.s32 @!p5 $0xFFFFF800;
	s6 =	simm.s32 @!p5 $0x1CF00  }
0xe8: {  	[tilespmem:s6], [sflag:$0x3] =	stream.indirect.gather @!p5 [spmem:s4], $0x10, s1, s24, $0xb8;
	[tilespmem:$0x1FF00] =	vst v63  }
.Ltmp10:
0xe9: {  	_ = 	snop;
	(pc) =	sbr.rel @p5 .LBB2_14-.Ltmp10, $4  }
0xea: {  	_ =	swait.ge [sflag:s25], $0x800  }
0xeb: {  	[sflag:s25] =	ssyncset.done $0x0  }
0xec: {  	s28 =	sadd.s32 $0x1A600, s5;
	s24 =	sadd.s32 $0x1A680, s5;
	[sflag:s25] =	ssyncadd.s32 $0xFFFFF800  }
0xed: {  	[spmem:s2] =	stream.indirect.scatter.add.f32 [tilespmem:s8], [sflag:$0xF], $0x10, s28, s26, $0xb8;
	[tilespmem:$0x1FF00] =	vst v63  }
0xee: {  	_ =	swait.ge [sflag:s30], $0x800  }
0xef: {  	[sflag:s30] =	ssyncset.done $0x0  }
0xf0: {  	s1 =	sadd.s32 $0x18C80, s5;
	[sflag:s30] =	ssyncadd.s32 $0xFFFFF800  }
0xf1: {  	[tilespmem:s11], [sflag:$0x4] =	stream.indirect.gather [spmem:s4], $0x10, s1, s26, $0xb8;
	[tilespmem:$0x1FF00] =	vst v63  }
0xf2: {  	_ =	swait.ge [sflag:s10], $0x800  }
0xf3: {  	[sflag:s10] =	ssyncset.done $0x0  }
0xf4: {  	[sflag:s10] =	ssyncadd.s32 $0xFFFFF800  }
0xf5: {  	[spmem:s2] =	stream.indirect.scatter.add.f32 [tilespmem:s16], [sflag:$0x10], $0x10, s24, s26, $0xb8;
	[tilespmem:$0x1FF00] =	vst v63  }
.Ltmp11:
0xf6: {  	_ = 	snop;
	(pc) =	sbr.rel .LBB2_12-.Ltmp11, $4  }
0xf7: {  	_ =	swait.ge [sflag:s0], $0x800  }
0xf8: {  	[sflag:s0] =	ssyncset.done $0x0  }
0xf9: {  	s28 =	sadd.s32 $0x18D00, s5;
	s23 =	sadd.s32 $0x1000, s23;
	[sflag:s0] =	ssyncadd.s32 $0xFFFFF800  }
0xfa: {  	[tilespmem:s22], [sflag:$0x5] =	stream.indirect.gather [spmem:s4], $0x10, s28, s26, $0xb8;
	[tilespmem:$0x1FF00] =	vst v63  }
.LBB2_16:
0xfb: {  	_ =	sfence.sel $0x180000  }
0xfc: {  	[bflag:$0x0] =	sbarrier.arrive $0xFFFF  }
0xfd: {  	_ =	strace $0x90000047  }
0xfe: {  	s0 =	stileid.u32;
	[bflag:$0x2] =	sbarrier.arrive $0xFFFF  }
0xff: {  	p0 =	sne.s32 s0, $0x0;
	s0 =	rddreg [dreg:$0x5]  }
0x100: {  	s0 =	sadd.s32 @!p0 $0x100000, s0  }
0x101: {  	[sflag:s0] =	ssyncadd.tile.s32 @!p0 $0x1;
	_ =	shalt  }
.Lfunc_end2:
_tile_overlayer_lowered:
.L_overlay_start_2:
0x102: {  	(tag) =	ssettag $0x2  }
0x103: {  	s0 =	rddreg [dreg:$0x0];
	s2 =	stileid.u32  }
0x104: {  	s1 =	rddreg [dreg:$0x1];
	p0 =	sne.s32 s2, $0x0  }
0x105: {  	s3 =	rddreg [dreg:$0x2];
	[bflag:$0x3] =	sbarrier.arrive $0xFFFF;
	s2 =	simm.s32 @!p0 $0x1C11  }
0x106: {  	[timem:s3], [sflag:s2] =	dma.local @!p0 [hbm:s0], s1  }
0x107: {  	s0 =	simm.s32 @!p0 $0x11  }
0x108: {  	_ =	swait.ge @!p0 [sflag:s0], s1  }
0x109: {  	s1 =	ssub.s32 @!p0 $0x0, s1;
	[sflag:s0] =	ssyncset.done @!p0 $0x0  }
0x10a: {  	[sflag:s0] =	ssyncadd.s32 @!p0 s1  }
0x10b: {  	[bflag:$0x3] =	sbarrier.arrive $0xFFFF  }
0x10c: {  	_ =	shalt  }

</sc_bundles>
